<compile_context>
chip_gen: v7x
topology: tpu7x:2x2x1
jax: 0.10.2.dev20260603
libtpu: 0.0.44.dev20260713+nightly
codegen_flags: <defaults>
</compile_context>

<pallas_src>
import functools

import jax
import jax.numpy as jnp
from jax import lax
from jax.experimental import pallas as pl
from jax.experimental.pallas import tpu as pltpu
from jax.experimental.pallas import tpu_sc as plsc

N_TOKENS = 32768
D_MODEL = 768
N_EXP = 8
BLK = 2048

NC, NS, L = 2, 16, 16
NW = NC * NS
CHUNK = N_TOKENS // NW
GRPS = CHUNK // L


def _router_blk(x_ref, w_ref, logits_ref, probs_ref, ent_ref):
    x = x_ref[...]
    w = w_ref[...]
    logits_t = jax.lax.dot_general(
        w, x, (((1,), (1,)), ((), ())),
        preferred_element_type=jnp.float32)
    m = jnp.max(logits_t, axis=0, keepdims=True)
    e = jnp.exp(logits_t - m)
    s = jnp.sum(e, axis=0, keepdims=True)
    probs_t = e * (1.0 / s)
    logits_ref[...] = logits_t
    probs_ref[...] = probs_t
    plsum = jnp.sum(probs_t * logits_t, axis=0, keepdims=True)
    ent_ref[0, ...] = m + jnp.log(s) - plsum


_sc_mesh = plsc.VectorSubcoreMesh(
    core_axis_name="c", subcore_axis_name="s", num_cores=NC, num_subcores=NS)


@functools.partial(
    pl.kernel,
    mesh=_sc_mesh,
    out_type=[
        jax.ShapeDtypeStruct((N_EXP, N_TOKENS), jnp.float32),
        jax.ShapeDtypeStruct((N_TOKENS,), jnp.float32),
        jax.ShapeDtypeStruct((N_TOKENS,), jnp.float32),
    ],
    scratch_types=[
        pltpu.VMEM((N_EXP, CHUNK), jnp.float32),
        pltpu.VMEM((N_EXP, CHUNK), jnp.float32),
        pltpu.VMEM((CHUNK,), jnp.float32),
        pltpu.VMEM((CHUNK,), jnp.float32),
    ],
)
def _sc_softmax(lt_hbm, probs_hbm, a_hbm, s_hbm, lbuf, pbuf, abuf, sbuf):
    wid = lax.axis_index("s") * NC + lax.axis_index("c")
    base = wid * CHUNK
    for e in range(N_EXP):
        pltpu.sync_copy(lt_hbm.at[e, pl.ds(base, CHUNK)], lbuf.at[e])

    def body(g, carry):
        off = g * L
        ls = [lbuf[e, pl.ds(off, L)] for e in range(N_EXP)]
        m = ls[0]
        for e in range(1, N_EXP):
            m = jnp.maximum(m, ls[e])
        es = [jnp.exp(ls[e] - m) for e in range(N_EXP)]
        s = es[0]
        for e in range(1, N_EXP):
            s = s + es[e]
        r = 1.0 / s
        plsum = jnp.zeros((L,), jnp.float32)
        for e in range(N_EXP):
            p = es[e] * r
            pbuf[e, pl.ds(off, L)] = p
            plsum = plsum + p * ls[e]
        abuf[pl.ds(off, L)] = m - plsum
        sbuf[pl.ds(off, L)] = s
        return carry

    lax.fori_loop(0, GRPS, body, 0)

    for e in range(N_EXP):
        pltpu.sync_copy(pbuf.at[e], probs_hbm.at[e, pl.ds(base, CHUNK)])
    pltpu.sync_copy(abuf, a_hbm.at[pl.ds(base, CHUNK)])
    pltpu.sync_copy(sbuf, s_hbm.at[pl.ds(base, CHUNK)])


def kernel(x, W):
    grid = N_TOKENS // BLK
    dummy = x.reshape(D_MODEL, N_TOKENS)[:N_EXP]

    _, a_d, _ = _sc_softmax(dummy)

    logits_t, probs_t, ent_parts = pl.pallas_call(
        _router_blk,
        grid=(grid,),
        in_specs=[
            pl.BlockSpec((BLK, D_MODEL), lambda i: (i, 0)),
            pl.BlockSpec((N_EXP, D_MODEL), lambda i: (0, 0)),
        ],
        out_specs=[
            pl.BlockSpec((N_EXP, BLK), lambda i: (0, i)),
            pl.BlockSpec((N_EXP, BLK), lambda i: (0, i)),
            pl.BlockSpec((1, 1, BLK), lambda i: (i, 0, 0)),
        ],
        out_shape=[
            jax.ShapeDtypeStruct((N_EXP, N_TOKENS), jnp.float32),
            jax.ShapeDtypeStruct((N_EXP, N_TOKENS), jnp.float32),
            jax.ShapeDtypeStruct((grid, 1, BLK), jnp.float32),
        ],
    )(x, W)
    router_entropy = jnp.sum(ent_parts) / N_TOKENS + 0.0 * a_d[0]
    return (logits_t.T, probs_t.T, router_entropy)

# --- scband reference (transcript-rebuilt; emitter-appended) ---
"""Pipeline reference for scband-learned-router-29798483100037 (READ-ONLY COPY).

The authoritative reference and input builder live on the scoring server;
editing this copy changes nothing except your own understanding.
"""

import jax, jax.numpy as jnp
import numpy as np

D_MODEL = 768
NUM_EXPERTS = 8

def setup_inputs(seed: int = 0) -> dict:
    key = jax.random.key(seed)
    k1, k2 = jax.random.split(key)
    x = jax.random.normal(k1, (32768, D_MODEL), dtype=jnp.float32)
    # router weight: nn.Linear(d_model, num_experts, bias=False), init normal std=0.02
    W = jax.random.normal(k2, (NUM_EXPERTS, D_MODEL), dtype=jnp.float32) * 0.02
    return {"x": x, "W": W}

def reference(x, W):
    # eval mode: dropout is None (dropout=0.0), jitter only applied in training
    logits = x @ W.T
    probs = jax.nn.softmax(logits, axis=-1)
    router_entropy = -(probs * jnp.log(probs + 1e-08)).sum(axis=-1).mean()
    return (logits, probs, router_entropy)

if __name__ == "__main__":
    import jax
    _d = setup_inputs()
    print(jax.jit(kernel)(*tuple(_d.values())))

</pallas_src>

<mosaic_0001>
#map = affine_map<(d0, d1) -> (0, 0)>
#map1 = affine_map<(d0, d1) -> (0)>
module attributes {stable_mosaic.version = 14 : i64} {
  func.func @_sc_softmax(%arg0: i32, %arg1: i32, %arg2: memref<8x32768xf32, #tpu.memory_space<hbm>>, %arg3: memref<8x32768xf32, #tpu.memory_space<hbm>>, %arg4: memref<32768xf32, #tpu.memory_space<hbm>>, %arg5: memref<32768xf32, #tpu.memory_space<hbm>>, %arg6: memref<8x1024xf32, #tpu.memory_space<vmem>>, %arg7: memref<8x1024xf32, #tpu.memory_space<vmem>>, %arg8: memref<1024xf32, #tpu.memory_space<vmem>>, %arg9: memref<1024xf32, #tpu.memory_space<vmem>>) attributes {dimension_semantics = [#tpu.dimension_semantics<core_parallel>, #tpu.dimension_semantics<subcore_parallel>], iteration_bounds = array<i64: 2, 16>, scalar_prefetch = 0 : i64, scratch_operands = 4 : i64, tpu.core_type = #tpu.core_type<sc_vector_subcore>, window_params = [{transform_indices = #map}, {transform_indices = #map}, {transform_indices = #map1}, {transform_indices = #map1}]} {
    %mul3A = arith.constant 2 : i32
    %mul3A_0 = arith.muli %arg1, %mul3A : i32
    %add3A = arith.addi %mul3A_0, %arg0 : i32
    %mul3A_1 = arith.constant 1024 : i32
    %mul3A_2 = arith.muli %add3A, %mul3A_1 : i32
    %run_scoped3A = arith.constant 0 : i32
    %run_scoped3A_3 = arith.constant 0 : i32
    "tpu.region"() ({
      %run_scoped3A_39 = tpu.sem_alloc : memref<!tpu.dma_semaphore, #tpu.memory_space<semaphore_mem>>
      %dma_start3A = arith.constant 0 : i32
      %dma_start3A_40 = tpu.memref_slice %arg6[%run_scoped3A_3, %dma_start3A] : memref<8x1024xf32, #tpu.memory_space<vmem>> -> memref<1x1024xf32, #tpu.memory_space<vmem>>
      %dma_start3A_41 = tpu.memref_squeeze %dma_start3A_40 : memref<1x1024xf32, #tpu.memory_space<vmem>> -> memref<1024xf32, #tpu.memory_space<vmem>>
      %dma_start3A_42 = tpu.memref_slice %arg2[%run_scoped3A, %mul3A_2] : memref<8x32768xf32, #tpu.memory_space<hbm>> -> memref<1x1024xf32, #tpu.memory_space<hbm>>
      %dma_start3A_43 = tpu.memref_squeeze %dma_start3A_42 : memref<1x1024xf32, #tpu.memory_space<hbm>> -> memref<1024xf32, #tpu.memory_space<hbm>>
      %dma_start3A_44 = arith.constant 0 : i32
      %dma_start3A_45 = tpu.memref_slice %arg6[%run_scoped3A_3, %dma_start3A_44] : memref<8x1024xf32, #tpu.memory_space<vmem>> -> memref<1x1024xf32, #tpu.memory_space<vmem>>
      %dma_start3A_46 = tpu.memref_squeeze %dma_start3A_45 : memref<1x1024xf32, #tpu.memory_space<vmem>> -> memref<1024xf32, #tpu.memory_space<vmem>>
      %dma_start3A_47 = tpu.memref_slice %arg2[%run_scoped3A, %mul3A_2] : memref<8x32768xf32, #tpu.memory_space<hbm>> -> memref<1x1024xf32, #tpu.memory_space<hbm>>
      %dma_start3A_48 = tpu.memref_squeeze %dma_start3A_47 : memref<1x1024xf32, #tpu.memory_space<hbm>> -> memref<1024xf32, #tpu.memory_space<hbm>>
      tpu.enqueue_dma source(%dma_start3A_48 : memref<1024xf32, #tpu.memory_space<hbm>>) target(%dma_start3A_46 : memref<1024xf32, #tpu.memory_space<vmem>>) target_semaphore(%run_scoped3A_39 : memref<!tpu.dma_semaphore, #tpu.memory_space<semaphore_mem>>)
      %dma_wait3A = arith.constant 0 : i32
      %dma_wait3A_49 = tpu.memref_slice %arg6[%run_scoped3A_3, %dma_wait3A] : memref<8x1024xf32, #tpu.memory_space<vmem>> -> memref<1x1024xf32, #tpu.memory_space<vmem>>
      %dma_wait3A_50 = tpu.memref_squeeze %dma_wait3A_49 : memref<1x1024xf32, #tpu.memory_space<vmem>> -> memref<1024xf32, #tpu.memory_space<vmem>>
      %dma_wait3A_51 = tpu.memref_slice %arg2[%run_scoped3A, %mul3A_2] : memref<8x32768xf32, #tpu.memory_space<hbm>> -> memref<1x1024xf32, #tpu.memory_space<hbm>>
      %dma_wait3A_52 = tpu.memref_squeeze %dma_wait3A_51 : memref<1x1024xf32, #tpu.memory_space<hbm>> -> memref<1024xf32, #tpu.memory_space<hbm>>
      %dma_wait3A_53 = arith.constant 0 : i32
      %dma_wait3A_54 = tpu.memref_slice %arg6[%run_scoped3A_3, %dma_wait3A_53] : memref<8x1024xf32, #tpu.memory_space<vmem>> -> memref<1x1024xf32, #tpu.memory_space<vmem>>
      %dma_wait3A_55 = tpu.memref_squeeze %dma_wait3A_54 : memref<1x1024xf32, #tpu.memory_space<vmem>> -> memref<1024xf32, #tpu.memory_space<vmem>>
      %dma_wait3A_56 = tpu.memref_slice %arg2[%run_scoped3A, %mul3A_2] : memref<8x32768xf32, #tpu.memory_space<hbm>> -> memref<1x1024xf32, #tpu.memory_space<hbm>>
      %dma_wait3A_57 = tpu.memref_squeeze %dma_wait3A_56 : memref<1x1024xf32, #tpu.memory_space<hbm>> -> memref<1024xf32, #tpu.memory_space<hbm>>
      tpu.wait_dma2 semaphore(%run_scoped3A_39 : memref<!tpu.dma_semaphore, #tpu.memory_space<semaphore_mem>>) src(%dma_wait3A_57 : memref<1024xf32, #tpu.memory_space<hbm>>) dst(%dma_wait3A_55 : memref<1024xf32, #tpu.memory_space<vmem>>)
      tpu.yield
    }) : () -> ()
    %run_scoped3A_4 = arith.constant 1 : i32
    %run_scoped3A_5 = arith.constant 1 : i32
    "tpu.region"() ({
      %run_scoped3A_39 = tpu.sem_alloc : memref<!tpu.dma_semaphore, #tpu.memory_space<semaphore_mem>>
      %dma_start3A = arith.constant 0 : i32
      %dma_start3A_40 = tpu.memref_slice %arg6[%run_scoped3A_5, %dma_start3A] : memref<8x1024xf32, #tpu.memory_space<vmem>> -> memref<1x1024xf32, #tpu.memory_space<vmem>>
      %dma_start3A_41 = tpu.memref_squeeze %dma_start3A_40 : memref<1x1024xf32, #tpu.memory_space<vmem>> -> memref<1024xf32, #tpu.memory_space<vmem>>
      %dma_start3A_42 = tpu.memref_slice %arg2[%run_scoped3A_4, %mul3A_2] : memref<8x32768xf32, #tpu.memory_space<hbm>> -> memref<1x1024xf32, #tpu.memory_space<hbm>>
      %dma_start3A_43 = tpu.memref_squeeze %dma_start3A_42 : memref<1x1024xf32, #tpu.memory_space<hbm>> -> memref<1024xf32, #tpu.memory_space<hbm>>
      %dma_start3A_44 = arith.constant 0 : i32
      %dma_start3A_45 = tpu.memref_slice %arg6[%run_scoped3A_5, %dma_start3A_44] : memref<8x1024xf32, #tpu.memory_space<vmem>> -> memref<1x1024xf32, #tpu.memory_space<vmem>>
      %dma_start3A_46 = tpu.memref_squeeze %dma_start3A_45 : memref<1x1024xf32, #tpu.memory_space<vmem>> -> memref<1024xf32, #tpu.memory_space<vmem>>
      %dma_start3A_47 = tpu.memref_slice %arg2[%run_scoped3A_4, %mul3A_2] : memref<8x32768xf32, #tpu.memory_space<hbm>> -> memref<1x1024xf32, #tpu.memory_space<hbm>>
      %dma_start3A_48 = tpu.memref_squeeze %dma_start3A_47 : memref<1x1024xf32, #tpu.memory_space<hbm>> -> memref<1024xf32, #tpu.memory_space<hbm>>
      tpu.enqueue_dma source(%dma_start3A_48 : memref<1024xf32, #tpu.memory_space<hbm>>) target(%dma_start3A_46 : memref<1024xf32, #tpu.memory_space<vmem>>) target_semaphore(%run_scoped3A_39 : memref<!tpu.dma_semaphore, #tpu.memory_space<semaphore_mem>>)
      %dma_wait3A = arith.constant 0 : i32
      %dma_wait3A_49 = tpu.memref_slice %arg6[%run_scoped3A_5, %dma_wait3A] : memref<8x1024xf32, #tpu.memory_space<vmem>> -> memref<1x1024xf32, #tpu.memory_space<vmem>>
      %dma_wait3A_50 = tpu.memref_squeeze %dma_wait3A_49 : memref<1x1024xf32, #tpu.memory_space<vmem>> -> memref<1024xf32, #tpu.memory_space<vmem>>
      %dma_wait3A_51 = tpu.memref_slice %arg2[%run_scoped3A_4, %mul3A_2] : memref<8x32768xf32, #tpu.memory_space<hbm>> -> memref<1x1024xf32, #tpu.memory_space<hbm>>
      %dma_wait3A_52 = tpu.memref_squeeze %dma_wait3A_51 : memref<1x1024xf32, #tpu.memory_space<hbm>> -> memref<1024xf32, #tpu.memory_space<hbm>>
      %dma_wait3A_53 = arith.constant 0 : i32
      %dma_wait3A_54 = tpu.memref_slice %arg6[%run_scoped3A_5, %dma_wait3A_53] : memref<8x1024xf32, #tpu.memory_space<vmem>> -> memref<1x1024xf32, #tpu.memory_space<vmem>>
      %dma_wait3A_55 = tpu.memref_squeeze %dma_wait3A_54 : memref<1x1024xf32, #tpu.memory_space<vmem>> -> memref<1024xf32, #tpu.memory_space<vmem>>
      %dma_wait3A_56 = tpu.memref_slice %arg2[%run_scoped3A_4, %mul3A_2] : memref<8x32768xf32, #tpu.memory_space<hbm>> -> memref<1x1024xf32, #tpu.memory_space<hbm>>
      %dma_wait3A_57 = tpu.memref_squeeze %dma_wait3A_56 : memref<1x1024xf32, #tpu.memory_space<hbm>> -> memref<1024xf32, #tpu.memory_space<hbm>>
      tpu.wait_dma2 semaphore(%run_scoped3A_39 : memref<!tpu.dma_semaphore, #tpu.memory_space<semaphore_mem>>) src(%dma_wait3A_57 : memref<1024xf32, #tpu.memory_space<hbm>>) dst(%dma_wait3A_55 : memref<1024xf32, #tpu.memory_space<vmem>>)
      tpu.yield
    }) : () -> ()
    %run_scoped3A_6 = arith.constant 2 : i32
    %run_scoped3A_7 = arith.constant 2 : i32
    "tpu.region"() ({
      %run_scoped3A_39 = tpu.sem_alloc : memref<!tpu.dma_semaphore, #tpu.memory_space<semaphore_mem>>
      %dma_start3A = arith.constant 0 : i32
      %dma_start3A_40 = tpu.memref_slice %arg6[%run_scoped3A_7, %dma_start3A] : memref<8x1024xf32, #tpu.memory_space<vmem>> -> memref<1x1024xf32, #tpu.memory_space<vmem>>
      %dma_start3A_41 = tpu.memref_squeeze %dma_start3A_40 : memref<1x1024xf32, #tpu.memory_space<vmem>> -> memref<1024xf32, #tpu.memory_space<vmem>>
      %dma_start3A_42 = tpu.memref_slice %arg2[%run_scoped3A_6, %mul3A_2] : memref<8x32768xf32, #tpu.memory_space<hbm>> -> memref<1x1024xf32, #tpu.memory_space<hbm>>
      %dma_start3A_43 = tpu.memref_squeeze %dma_start3A_42 : memref<1x1024xf32, #tpu.memory_space<hbm>> -> memref<1024xf32, #tpu.memory_space<hbm>>
      %dma_start3A_44 = arith.constant 0 : i32
      %dma_start3A_45 = tpu.memref_slice %arg6[%run_scoped3A_7, %dma_start3A_44] : memref<8x1024xf32, #tpu.memory_space<vmem>> -> memref<1x1024xf32, #tpu.memory_space<vmem>>
      %dma_start3A_46 = tpu.memref_squeeze %dma_start3A_45 : memref<1x1024xf32, #tpu.memory_space<vmem>> -> memref<1024xf32, #tpu.memory_space<vmem>>
      %dma_start3A_47 = tpu.memref_slice %arg2[%run_scoped3A_6, %mul3A_2] : memref<8x32768xf32, #tpu.memory_space<hbm>> -> memref<1x1024xf32, #tpu.memory_space<hbm>>
      %dma_start3A_48 = tpu.memref_squeeze %dma_start3A_47 : memref<1x1024xf32, #tpu.memory_space<hbm>> -> memref<1024xf32, #tpu.memory_space<hbm>>
      tpu.enqueue_dma source(%dma_start3A_48 : memref<1024xf32, #tpu.memory_space<hbm>>) target(%dma_start3A_46 : memref<1024xf32, #tpu.memory_space<vmem>>) target_semaphore(%run_scoped3A_39 : memref<!tpu.dma_semaphore, #tpu.memory_space<semaphore_mem>>)
      %dma_wait3A = arith.constant 0 : i32
      %dma_wait3A_49 = tpu.memref_slice %arg6[%run_scoped3A_7, %dma_wait3A] : memref<8x1024xf32, #tpu.memory_space<vmem>> -> memref<1x1024xf32, #tpu.memory_space<vmem>>
      %dma_wait3A_50 = tpu.memref_squeeze %dma_wait3A_49 : memref<1x1024xf32, #tpu.memory_space<vmem>> -> memref<1024xf32, #tpu.memory_space<vmem>>
      %dma_wait3A_51 = tpu.memref_slice %arg2[%run_scoped3A_6, %mul3A_2] : memref<8x32768xf32, #tpu.memory_space<hbm>> -> memref<1x1024xf32, #tpu.memory_space<hbm>>
      %dma_wait3A_52 = tpu.memref_squeeze %dma_wait3A_51 : memref<1x1024xf32, #tpu.memory_space<hbm>> -> memref<1024xf32, #tpu.memory_space<hbm>>
      %dma_wait3A_53 = arith.constant 0 : i32
      %dma_wait3A_54 = tpu.memref_slice %arg6[%run_scoped3A_7, %dma_wait3A_53] : memref<8x1024xf32, #tpu.memory_space<vmem>> -> memref<1x1024xf32, #tpu.memory_space<vmem>>
      %dma_wait3A_55 = tpu.memref_squeeze %dma_wait3A_54 : memref<1x1024xf32, #tpu.memory_space<vmem>> -> memref<1024xf32, #tpu.memory_space<vmem>>
      %dma_wait3A_56 = tpu.memref_slice %arg2[%run_scoped3A_6, %mul3A_2] : memref<8x32768xf32, #tpu.memory_space<hbm>> -> memref<1x1024xf32, #tpu.memory_space<hbm>>
      %dma_wait3A_57 = tpu.memref_squeeze %dma_wait3A_56 : memref<1x1024xf32, #tpu.memory_space<hbm>> -> memref<1024xf32, #tpu.memory_space<hbm>>
      tpu.wait_dma2 semaphore(%run_scoped3A_39 : memref<!tpu.dma_semaphore, #tpu.memory_space<semaphore_mem>>) src(%dma_wait3A_57 : memref<1024xf32, #tpu.memory_space<hbm>>) dst(%dma_wait3A_55 : memref<1024xf32, #tpu.memory_space<vmem>>)
      tpu.yield
    }) : () -> ()
    %run_scoped3A_8 = arith.constant 3 : i32
    %run_scoped3A_9 = arith.constant 3 : i32
    "tpu.region"() ({
      %run_scoped3A_39 = tpu.sem_alloc : memref<!tpu.dma_semaphore, #tpu.memory_space<semaphore_mem>>
      %dma_start3A = arith.constant 0 : i32
      %dma_start3A_40 = tpu.memref_slice %arg6[%run_scoped3A_9, %dma_start3A] : memref<8x1024xf32, #tpu.memory_space<vmem>> -> memref<1x1024xf32, #tpu.memory_space<vmem>>
      %dma_start3A_41 = tpu.memref_squeeze %dma_start3A_40 : memref<1x1024xf32, #tpu.memory_space<vmem>> -> memref<1024xf32, #tpu.memory_space<vmem>>
      %dma_start3A_42 = tpu.memref_slice %arg2[%run_scoped3A_8, %mul3A_2] : memref<8x32768xf32, #tpu.memory_space<hbm>> -> memref<1x1024xf32, #tpu.memory_space<hbm>>
      %dma_start3A_43 = tpu.memref_squeeze %dma_start3A_42 : memref<1x1024xf32, #tpu.memory_space<hbm>> -> memref<1024xf32, #tpu.memory_space<hbm>>
      %dma_start3A_44 = arith.constant 0 : i32
      %dma_start3A_45 = tpu.memref_slice %arg6[%run_scoped3A_9, %dma_start3A_44] : memref<8x1024xf32, #tpu.memory_space<vmem>> -> memref<1x1024xf32, #tpu.memory_space<vmem>>
      %dma_start3A_46 = tpu.memref_squeeze %dma_start3A_45 : memref<1x1024xf32, #tpu.memory_space<vmem>> -> memref<1024xf32, #tpu.memory_space<vmem>>
      %dma_start3A_47 = tpu.memref_slice %arg2[%run_scoped3A_8, %mul3A_2] : memref<8x32768xf32, #tpu.memory_space<hbm>> -> memref<1x1024xf32, #tpu.memory_space<hbm>>
      %dma_start3A_48 = tpu.memref_squeeze %dma_start3A_47 : memref<1x1024xf32, #tpu.memory_space<hbm>> -> memref<1024xf32, #tpu.memory_space<hbm>>
      tpu.enqueue_dma source(%dma_start3A_48 : memref<1024xf32, #tpu.memory_space<hbm>>) target(%dma_start3A_46 : memref<1024xf32, #tpu.memory_space<vmem>>) target_semaphore(%run_scoped3A_39 : memref<!tpu.dma_semaphore, #tpu.memory_space<semaphore_mem>>)
      %dma_wait3A = arith.constant 0 : i32
      %dma_wait3A_49 = tpu.memref_slice %arg6[%run_scoped3A_9, %dma_wait3A] : memref<8x1024xf32, #tpu.memory_space<vmem>> -> memref<1x1024xf32, #tpu.memory_space<vmem>>
      %dma_wait3A_50 = tpu.memref_squeeze %dma_wait3A_49 : memref<1x1024xf32, #tpu.memory_space<vmem>> -> memref<1024xf32, #tpu.memory_space<vmem>>
      %dma_wait3A_51 = tpu.memref_slice %arg2[%run_scoped3A_8, %mul3A_2] : memref<8x32768xf32, #tpu.memory_space<hbm>> -> memref<1x1024xf32, #tpu.memory_space<hbm>>
      %dma_wait3A_52 = tpu.memref_squeeze %dma_wait3A_51 : memref<1x1024xf32, #tpu.memory_space<hbm>> -> memref<1024xf32, #tpu.memory_space<hbm>>
      %dma_wait3A_53 = arith.constant 0 : i32
      %dma_wait3A_54 = tpu.memref_slice %arg6[%run_scoped3A_9, %dma_wait3A_53] : memref<8x1024xf32, #tpu.memory_space<vmem>> -> memref<1x1024xf32, #tpu.memory_space<vmem>>
      %dma_wait3A_55 = tpu.memref_squeeze %dma_wait3A_54 : memref<1x1024xf32, #tpu.memory_space<vmem>> -> memref<1024xf32, #tpu.memory_space<vmem>>
      %dma_wait3A_56 = tpu.memref_slice %arg2[%run_scoped3A_8, %mul3A_2] : memref<8x32768xf32, #tpu.memory_space<hbm>> -> memref<1x1024xf32, #tpu.memory_space<hbm>>
      %dma_wait3A_57 = tpu.memref_squeeze %dma_wait3A_56 : memref<1x1024xf32, #tpu.memory_space<hbm>> -> memref<1024xf32, #tpu.memory_space<hbm>>
      tpu.wait_dma2 semaphore(%run_scoped3A_39 : memref<!tpu.dma_semaphore, #tpu.memory_space<semaphore_mem>>) src(%dma_wait3A_57 : memref<1024xf32, #tpu.memory_space<hbm>>) dst(%dma_wait3A_55 : memref<1024xf32, #tpu.memory_space<vmem>>)
      tpu.yield
    }) : () -> ()
    %run_scoped3A_10 = arith.constant 4 : i32
    %run_scoped3A_11 = arith.constant 4 : i32
    "tpu.region"() ({
      %run_scoped3A_39 = tpu.sem_alloc : memref<!tpu.dma_semaphore, #tpu.memory_space<semaphore_mem>>
      %dma_start3A = arith.constant 0 : i32
      %dma_start3A_40 = tpu.memref_slice %arg6[%run_scoped3A_11, %dma_start3A] : memref<8x1024xf32, #tpu.memory_space<vmem>> -> memref<1x1024xf32, #tpu.memory_space<vmem>>
      %dma_start3A_41 = tpu.memref_squeeze %dma_start3A_40 : memref<1x1024xf32, #tpu.memory_space<vmem>> -> memref<1024xf32, #tpu.memory_space<vmem>>
      %dma_start3A_42 = tpu.memref_slice %arg2[%run_scoped3A_10, %mul3A_2] : memref<8x32768xf32, #tpu.memory_space<hbm>> -> memref<1x1024xf32, #tpu.memory_space<hbm>>
      %dma_start3A_43 = tpu.memref_squeeze %dma_start3A_42 : memref<1x1024xf32, #tpu.memory_space<hbm>> -> memref<1024xf32, #tpu.memory_space<hbm>>
      %dma_start3A_44 = arith.constant 0 : i32
      %dma_start3A_45 = tpu.memref_slice %arg6[%run_scoped3A_11, %dma_start3A_44] : memref<8x1024xf32, #tpu.memory_space<vmem>> -> memref<1x1024xf32, #tpu.memory_space<vmem>>
      %dma_start3A_46 = tpu.memref_squeeze %dma_start3A_45 : memref<1x1024xf32, #tpu.memory_space<vmem>> -> memref<1024xf32, #tpu.memory_space<vmem>>
      %dma_start3A_47 = tpu.memref_slice %arg2[%run_scoped3A_10, %mul3A_2] : memref<8x32768xf32, #tpu.memory_space<hbm>> -> memref<1x1024xf32, #tpu.memory_space<hbm>>
      %dma_start3A_48 = tpu.memref_squeeze %dma_start3A_47 : memref<1x1024xf32, #tpu.memory_space<hbm>> -> memref<1024xf32, #tpu.memory_space<hbm>>
      tpu.enqueue_dma source(%dma_start3A_48 : memref<1024xf32, #tpu.memory_space<hbm>>) target(%dma_start3A_46 : memref<1024xf32, #tpu.memory_space<vmem>>) target_semaphore(%run_scoped3A_39 : memref<!tpu.dma_semaphore, #tpu.memory_space<semaphore_mem>>)
      %dma_wait3A = arith.constant 0 : i32
      %dma_wait3A_49 = tpu.memref_slice %arg6[%run_scoped3A_11, %dma_wait3A] : memref<8x1024xf32, #tpu.memory_space<vmem>> -> memref<1x1024xf32, #tpu.memory_space<vmem>>
      %dma_wait3A_50 = tpu.memref_squeeze %dma_wait3A_49 : memref<1x1024xf32, #tpu.memory_space<vmem>> -> memref<1024xf32, #tpu.memory_space<vmem>>
      %dma_wait3A_51 = tpu.memref_slice %arg2[%run_scoped3A_10, %mul3A_2] : memref<8x32768xf32, #tpu.memory_space<hbm>> -> memref<1x1024xf32, #tpu.memory_space<hbm>>
      %dma_wait3A_52 = tpu.memref_squeeze %dma_wait3A_51 : memref<1x1024xf32, #tpu.memory_space<hbm>> -> memref<1024xf32, #tpu.memory_space<hbm>>
      %dma_wait3A_53 = arith.constant 0 : i32
      %dma_wait3A_54 = tpu.memref_slice %arg6[%run_scoped3A_11, %dma_wait3A_53] : memref<8x1024xf32, #tpu.memory_space<vmem>> -> memref<1x1024xf32, #tpu.memory_space<vmem>>
      %dma_wait3A_55 = tpu.memref_squeeze %dma_wait3A_54 : memref<1x1024xf32, #tpu.memory_space<vmem>> -> memref<1024xf32, #tpu.memory_space<vmem>>
      %dma_wait3A_56 = tpu.memref_slice %arg2[%run_scoped3A_10, %mul3A_2] : memref<8x32768xf32, #tpu.memory_space<hbm>> -> memref<1x1024xf32, #tpu.memory_space<hbm>>
      %dma_wait3A_57 = tpu.memref_squeeze %dma_wait3A_56 : memref<1x1024xf32, #tpu.memory_space<hbm>> -> memref<1024xf32, #tpu.memory_space<hbm>>
      tpu.wait_dma2 semaphore(%run_scoped3A_39 : memref<!tpu.dma_semaphore, #tpu.memory_space<semaphore_mem>>) src(%dma_wait3A_57 : memref<1024xf32, #tpu.memory_space<hbm>>) dst(%dma_wait3A_55 : memref<1024xf32, #tpu.memory_space<vmem>>)
      tpu.yield
    }) : () -> ()
    %run_scoped3A_12 = arith.constant 5 : i32
    %run_scoped3A_13 = arith.constant 5 : i32
    "tpu.region"() ({
      %run_scoped3A_39 = tpu.sem_alloc : memref<!tpu.dma_semaphore, #tpu.memory_space<semaphore_mem>>
      %dma_start3A = arith.constant 0 : i32
      %dma_start3A_40 = tpu.memref_slice %arg6[%run_scoped3A_13, %dma_start3A] : memref<8x1024xf32, #tpu.memory_space<vmem>> -> memref<1x1024xf32, #tpu.memory_space<vmem>>
      %dma_start3A_41 = tpu.memref_squeeze %dma_start3A_40 : memref<1x1024xf32, #tpu.memory_space<vmem>> -> memref<1024xf32, #tpu.memory_space<vmem>>
      %dma_start3A_42 = tpu.memref_slice %arg2[%run_scoped3A_12, %mul3A_2] : memref<8x32768xf32, #tpu.memory_space<hbm>> -> memref<1x1024xf32, #tpu.memory_space<hbm>>
      %dma_start3A_43 = tpu.memref_squeeze %dma_start3A_42 : memref<1x1024xf32, #tpu.memory_space<hbm>> -> memref<1024xf32, #tpu.memory_space<hbm>>
      %dma_start3A_44 = arith.constant 0 : i32
      %dma_start3A_45 = tpu.memref_slice %arg6[%run_scoped3A_13, %dma_start3A_44] : memref<8x1024xf32, #tpu.memory_space<vmem>> -> memref<1x1024xf32, #tpu.memory_space<vmem>>
      %dma_start3A_46 = tpu.memref_squeeze %dma_start3A_45 : memref<1x1024xf32, #tpu.memory_space<vmem>> -> memref<1024xf32, #tpu.memory_space<vmem>>
      %dma_start3A_47 = tpu.memref_slice %arg2[%run_scoped3A_12, %mul3A_2] : memref<8x32768xf32, #tpu.memory_space<hbm>> -> memref<1x1024xf32, #tpu.memory_space<hbm>>
      %dma_start3A_48 = tpu.memref_squeeze %dma_start3A_47 : memref<1x1024xf32, #tpu.memory_space<hbm>> -> memref<1024xf32, #tpu.memory_space<hbm>>
      tpu.enqueue_dma source(%dma_start3A_48 : memref<1024xf32, #tpu.memory_space<hbm>>) target(%dma_start3A_46 : memref<1024xf32, #tpu.memory_space<vmem>>) target_semaphore(%run_scoped3A_39 : memref<!tpu.dma_semaphore, #tpu.memory_space<semaphore_mem>>)
      %dma_wait3A = arith.constant 0 : i32
      %dma_wait3A_49 = tpu.memref_slice %arg6[%run_scoped3A_13, %dma_wait3A] : memref<8x1024xf32, #tpu.memory_space<vmem>> -> memref<1x1024xf32, #tpu.memory_space<vmem>>
      %dma_wait3A_50 = tpu.memref_squeeze %dma_wait3A_49 : memref<1x1024xf32, #tpu.memory_space<vmem>> -> memref<1024xf32, #tpu.memory_space<vmem>>
      %dma_wait3A_51 = tpu.memref_slice %arg2[%run_scoped3A_12, %mul3A_2] : memref<8x32768xf32, #tpu.memory_space<hbm>> -> memref<1x1024xf32, #tpu.memory_space<hbm>>
      %dma_wait3A_52 = tpu.memref_squeeze %dma_wait3A_51 : memref<1x1024xf32, #tpu.memory_space<hbm>> -> memref<1024xf32, #tpu.memory_space<hbm>>
      %dma_wait3A_53 = arith.constant 0 : i32
      %dma_wait3A_54 = tpu.memref_slice %arg6[%run_scoped3A_13, %dma_wait3A_53] : memref<8x1024xf32, #tpu.memory_space<vmem>> -> memref<1x1024xf32, #tpu.memory_space<vmem>>
      %dma_wait3A_55 = tpu.memref_squeeze %dma_wait3A_54 : memref<1x1024xf32, #tpu.memory_space<vmem>> -> memref<1024xf32, #tpu.memory_space<vmem>>
      %dma_wait3A_56 = tpu.memref_slice %arg2[%run_scoped3A_12, %mul3A_2] : memref<8x32768xf32, #tpu.memory_space<hbm>> -> memref<1x1024xf32, #tpu.memory_space<hbm>>
      %dma_wait3A_57 = tpu.memref_squeeze %dma_wait3A_56 : memref<1x1024xf32, #tpu.memory_space<hbm>> -> memref<1024xf32, #tpu.memory_space<hbm>>
      tpu.wait_dma2 semaphore(%run_scoped3A_39 : memref<!tpu.dma_semaphore, #tpu.memory_space<semaphore_mem>>) src(%dma_wait3A_57 : memref<1024xf32, #tpu.memory_space<hbm>>) dst(%dma_wait3A_55 : memref<1024xf32, #tpu.memory_space<vmem>>)
      tpu.yield
    }) : () -> ()
    %run_scoped3A_14 = arith.constant 6 : i32
    %run_scoped3A_15 = arith.constant 6 : i32
    "tpu.region"() ({
      %run_scoped3A_39 = tpu.sem_alloc : memref<!tpu.dma_semaphore, #tpu.memory_space<semaphore_mem>>
      %dma_start3A = arith.constant 0 : i32
      %dma_start3A_40 = tpu.memref_slice %arg6[%run_scoped3A_15, %dma_start3A] : memref<8x1024xf32, #tpu.memory_space<vmem>> -> memref<1x1024xf32, #tpu.memory_space<vmem>>
      %dma_start3A_41 = tpu.memref_squeeze %dma_start3A_40 : memref<1x1024xf32, #tpu.memory_space<vmem>> -> memref<1024xf32, #tpu.memory_space<vmem>>
      %dma_start3A_42 = tpu.memref_slice %arg2[%run_scoped3A_14, %mul3A_2] : memref<8x32768xf32, #tpu.memory_space<hbm>> -> memref<1x1024xf32, #tpu.memory_space<hbm>>
      %dma_start3A_43 = tpu.memref_squeeze %dma_start3A_42 : memref<1x1024xf32, #tpu.memory_space<hbm>> -> memref<1024xf32, #tpu.memory_space<hbm>>
      %dma_start3A_44 = arith.constant 0 : i32
      %dma_start3A_45 = tpu.memref_slice %arg6[%run_scoped3A_15, %dma_start3A_44] : memref<8x1024xf32, #tpu.memory_space<vmem>> -> memref<1x1024xf32, #tpu.memory_space<vmem>>
      %dma_start3A_46 = tpu.memref_squeeze %dma_start3A_45 : memref<1x1024xf32, #tpu.memory_space<vmem>> -> memref<1024xf32, #tpu.memory_space<vmem>>
      %dma_start3A_47 = tpu.memref_slice %arg2[%run_scoped3A_14, %mul3A_2] : memref<8x32768xf32, #tpu.memory_space<hbm>> -> memref<1x1024xf32, #tpu.memory_space<hbm>>
      %dma_start3A_48 = tpu.memref_squeeze %dma_start3A_47 : memref<1x1024xf32, #tpu.memory_space<hbm>> -> memref<1024xf32, #tpu.memory_space<hbm>>
      tpu.enqueue_dma source(%dma_start3A_48 : memref<1024xf32, #tpu.memory_space<hbm>>) target(%dma_start3A_46 : memref<1024xf32, #tpu.memory_space<vmem>>) target_semaphore(%run_scoped3A_39 : memref<!tpu.dma_semaphore, #tpu.memory_space<semaphore_mem>>)
      %dma_wait3A = arith.constant 0 : i32
      %dma_wait3A_49 = tpu.memref_slice %arg6[%run_scoped3A_15, %dma_wait3A] : memref<8x1024xf32, #tpu.memory_space<vmem>> -> memref<1x1024xf32, #tpu.memory_space<vmem>>
      %dma_wait3A_50 = tpu.memref_squeeze %dma_wait3A_49 : memref<1x1024xf32, #tpu.memory_space<vmem>> -> memref<1024xf32, #tpu.memory_space<vmem>>
      %dma_wait3A_51 = tpu.memref_slice %arg2[%run_scoped3A_14, %mul3A_2] : memref<8x32768xf32, #tpu.memory_space<hbm>> -> memref<1x1024xf32, #tpu.memory_space<hbm>>
      %dma_wait3A_52 = tpu.memref_squeeze %dma_wait3A_51 : memref<1x1024xf32, #tpu.memory_space<hbm>> -> memref<1024xf32, #tpu.memory_space<hbm>>
      %dma_wait3A_53 = arith.constant 0 : i32
      %dma_wait3A_54 = tpu.memref_slice %arg6[%run_scoped3A_15, %dma_wait3A_53] : memref<8x1024xf32, #tpu.memory_space<vmem>> -> memref<1x1024xf32, #tpu.memory_space<vmem>>
      %dma_wait3A_55 = tpu.memref_squeeze %dma_wait3A_54 : memref<1x1024xf32, #tpu.memory_space<vmem>> -> memref<1024xf32, #tpu.memory_space<vmem>>
      %dma_wait3A_56 = tpu.memref_slice %arg2[%run_scoped3A_14, %mul3A_2] : memref<8x32768xf32, #tpu.memory_space<hbm>> -> memref<1x1024xf32, #tpu.memory_space<hbm>>
      %dma_wait3A_57 = tpu.memref_squeeze %dma_wait3A_56 : memref<1x1024xf32, #tpu.memory_space<hbm>> -> memref<1024xf32, #tpu.memory_space<hbm>>
      tpu.wait_dma2 semaphore(%run_scoped3A_39 : memref<!tpu.dma_semaphore, #tpu.memory_space<semaphore_mem>>) src(%dma_wait3A_57 : memref<1024xf32, #tpu.memory_space<hbm>>) dst(%dma_wait3A_55 : memref<1024xf32, #tpu.memory_space<vmem>>)
      tpu.yield
    }) : () -> ()
    %run_scoped3A_16 = arith.constant 7 : i32
    %run_scoped3A_17 = arith.constant 7 : i32
    "tpu.region"() ({
      %run_scoped3A_39 = tpu.sem_alloc : memref<!tpu.dma_semaphore, #tpu.memory_space<semaphore_mem>>
      %dma_start3A = arith.constant 0 : i32
      %dma_start3A_40 = tpu.memref_slice %arg6[%run_scoped3A_17, %dma_start3A] : memref<8x1024xf32, #tpu.memory_space<vmem>> -> memref<1x1024xf32, #tpu.memory_space<vmem>>
      %dma_start3A_41 = tpu.memref_squeeze %dma_start3A_40 : memref<1x1024xf32, #tpu.memory_space<vmem>> -> memref<1024xf32, #tpu.memory_space<vmem>>
      %dma_start3A_42 = tpu.memref_slice %arg2[%run_scoped3A_16, %mul3A_2] : memref<8x32768xf32, #tpu.memory_space<hbm>> -> memref<1x1024xf32, #tpu.memory_space<hbm>>
      %dma_start3A_43 = tpu.memref_squeeze %dma_start3A_42 : memref<1x1024xf32, #tpu.memory_space<hbm>> -> memref<1024xf32, #tpu.memory_space<hbm>>
      %dma_start3A_44 = arith.constant 0 : i32
      %dma_start3A_45 = tpu.memref_slice %arg6[%run_scoped3A_17, %dma_start3A_44] : memref<8x1024xf32, #tpu.memory_space<vmem>> -> memref<1x1024xf32, #tpu.memory_space<vmem>>
      %dma_start3A_46 = tpu.memref_squeeze %dma_start3A_45 : memref<1x1024xf32, #tpu.memory_space<vmem>> -> memref<1024xf32, #tpu.memory_space<vmem>>
      %dma_start3A_47 = tpu.memref_slice %arg2[%run_scoped3A_16, %mul3A_2] : memref<8x32768xf32, #tpu.memory_space<hbm>> -> memref<1x1024xf32, #tpu.memory_space<hbm>>
      %dma_start3A_48 = tpu.memref_squeeze %dma_start3A_47 : memref<1x1024xf32, #tpu.memory_space<hbm>> -> memref<1024xf32, #tpu.memory_space<hbm>>
      tpu.enqueue_dma source(%dma_start3A_48 : memref<1024xf32, #tpu.memory_space<hbm>>) target(%dma_start3A_46 : memref<1024xf32, #tpu.memory_space<vmem>>) target_semaphore(%run_scoped3A_39 : memref<!tpu.dma_semaphore, #tpu.memory_space<semaphore_mem>>)
      %dma_wait3A = arith.constant 0 : i32
      %dma_wait3A_49 = tpu.memref_slice %arg6[%run_scoped3A_17, %dma_wait3A] : memref<8x1024xf32, #tpu.memory_space<vmem>> -> memref<1x1024xf32, #tpu.memory_space<vmem>>
      %dma_wait3A_50 = tpu.memref_squeeze %dma_wait3A_49 : memref<1x1024xf32, #tpu.memory_space<vmem>> -> memref<1024xf32, #tpu.memory_space<vmem>>
      %dma_wait3A_51 = tpu.memref_slice %arg2[%run_scoped3A_16, %mul3A_2] : memref<8x32768xf32, #tpu.memory_space<hbm>> -> memref<1x1024xf32, #tpu.memory_space<hbm>>
      %dma_wait3A_52 = tpu.memref_squeeze %dma_wait3A_51 : memref<1x1024xf32, #tpu.memory_space<hbm>> -> memref<1024xf32, #tpu.memory_space<hbm>>
      %dma_wait3A_53 = arith.constant 0 : i32
      %dma_wait3A_54 = tpu.memref_slice %arg6[%run_scoped3A_17, %dma_wait3A_53] : memref<8x1024xf32, #tpu.memory_space<vmem>> -> memref<1x1024xf32, #tpu.memory_space<vmem>>
      %dma_wait3A_55 = tpu.memref_squeeze %dma_wait3A_54 : memref<1x1024xf32, #tpu.memory_space<vmem>> -> memref<1024xf32, #tpu.memory_space<vmem>>
      %dma_wait3A_56 = tpu.memref_slice %arg2[%run_scoped3A_16, %mul3A_2] : memref<8x32768xf32, #tpu.memory_space<hbm>> -> memref<1x1024xf32, #tpu.memory_space<hbm>>
      %dma_wait3A_57 = tpu.memref_squeeze %dma_wait3A_56 : memref<1x1024xf32, #tpu.memory_space<hbm>> -> memref<1024xf32, #tpu.memory_space<hbm>>
      tpu.wait_dma2 semaphore(%run_scoped3A_39 : memref<!tpu.dma_semaphore, #tpu.memory_space<semaphore_mem>>) src(%dma_wait3A_57 : memref<1024xf32, #tpu.memory_space<hbm>>) dst(%dma_wait3A_55 : memref<1024xf32, #tpu.memory_space<vmem>>)
      tpu.yield
    }) : () -> ()
    %scan3A = arith.constant 0 : i32
    %scan3A_18 = arith.constant 0 : i32
    %scan3A_19 = arith.constant 64 : i32
    %scan3A_20 = arith.addi %scan3A_18, %scan3A_19 : i32
    %scan3A_21 = arith.constant 1 : i32
    scf.for %scan3A_39 = %scan3A_18 to %scan3A_20 step %scan3A_21  : i32 {
      %mul3A_40 = arith.constant 16 : i32
      %mul3A_41 = arith.muli %scan3A_39, %mul3A_40 : i32
      %get3A = arith.constant 0 : i32
      %get3A_42 = arith.index_cast %get3A : i32 to index
      %get3A_43 = arith.index_cast %mul3A_41 : i32 to index
      %get3A_44 = tpu.vector_load %arg6[%get3A_42, %get3A_43] {strides = array<i32>} : memref<8x1024xf32, #tpu.memory_space<vmem>>, vector<1x16xf32>,
      %get3A_45 = vector.shape_cast %get3A_44 : vector<1x16xf32> to vector<16xf32>
      %get3A_46 = arith.constant 1 : i32
      %get3A_47 = arith.index_cast %get3A_46 : i32 to index
      %get3A_48 = arith.index_cast %mul3A_41 : i32 to index
      %get3A_49 = tpu.vector_load %arg6[%get3A_47, %get3A_48] {strides = array<i32>} : memref<8x1024xf32, #tpu.memory_space<vmem>>, vector<1x16xf32>,
      %get3A_50 = vector.shape_cast %get3A_49 : vector<1x16xf32> to vector<16xf32>
      %get3A_51 = arith.constant 2 : i32
      %get3A_52 = arith.index_cast %get3A_51 : i32 to index
      %get3A_53 = arith.index_cast %mul3A_41 : i32 to index
      %get3A_54 = tpu.vector_load %arg6[%get3A_52, %get3A_53] {strides = array<i32>} : memref<8x1024xf32, #tpu.memory_space<vmem>>, vector<1x16xf32>,
      %get3A_55 = vector.shape_cast %get3A_54 : vector<1x16xf32> to vector<16xf32>
      %get3A_56 = arith.constant 3 : i32
      %get3A_57 = arith.index_cast %get3A_56 : i32 to index
      %get3A_58 = arith.index_cast %mul3A_41 : i32 to index
      %get3A_59 = tpu.vector_load %arg6[%get3A_57, %get3A_58] {strides = array<i32>} : memref<8x1024xf32, #tpu.memory_space<vmem>>, vector<1x16xf32>,
      %get3A_60 = vector.shape_cast %get3A_59 : vector<1x16xf32> to vector<16xf32>
      %get3A_61 = arith.constant 4 : i32
      %get3A_62 = arith.index_cast %get3A_61 : i32 to index
      %get3A_63 = arith.index_cast %mul3A_41 : i32 to index
      %get3A_64 = tpu.vector_load %arg6[%get3A_62, %get3A_63] {strides = array<i32>} : memref<8x1024xf32, #tpu.memory_space<vmem>>, vector<1x16xf32>,
      %get3A_65 = vector.shape_cast %get3A_64 : vector<1x16xf32> to vector<16xf32>
      %get3A_66 = arith.constant 5 : i32
      %get3A_67 = arith.index_cast %get3A_66 : i32 to index
      %get3A_68 = arith.index_cast %mul3A_41 : i32 to index
      %get3A_69 = tpu.vector_load %arg6[%get3A_67, %get3A_68] {strides = array<i32>} : memref<8x1024xf32, #tpu.memory_space<vmem>>, vector<1x16xf32>,
      %get3A_70 = vector.shape_cast %get3A_69 : vector<1x16xf32> to vector<16xf32>
      %get3A_71 = arith.constant 6 : i32
      %get3A_72 = arith.index_cast %get3A_71 : i32 to index
      %get3A_73 = arith.index_cast %mul3A_41 : i32 to index
      %get3A_74 = tpu.vector_load %arg6[%get3A_72, %get3A_73] {strides = array<i32>} : memref<8x1024xf32, #tpu.memory_space<vmem>>, vector<1x16xf32>,
      %get3A_75 = vector.shape_cast %get3A_74 : vector<1x16xf32> to vector<16xf32>
      %get3A_76 = arith.constant 7 : i32
      %get3A_77 = arith.index_cast %get3A_76 : i32 to index
      %get3A_78 = arith.index_cast %mul3A_41 : i32 to index
      %get3A_79 = tpu.vector_load %arg6[%get3A_77, %get3A_78] {strides = array<i32>} : memref<8x1024xf32, #tpu.memory_space<vmem>>, vector<1x16xf32>,
      %get3A_80 = vector.shape_cast %get3A_79 : vector<1x16xf32> to vector<16xf32>
      %max3A = arith.maximumf %get3A_45, %get3A_50 : vector<16xf32>
      %max3A_81 = arith.maximumf %max3A, %get3A_55 : vector<16xf32>
      %max3A_82 = arith.maximumf %max3A_81, %get3A_60 : vector<16xf32>
      %max3A_83 = arith.maximumf %max3A_82, %get3A_65 : vector<16xf32>
      %max3A_84 = arith.maximumf %max3A_83, %get3A_70 : vector<16xf32>
      %max3A_85 = arith.maximumf %max3A_84, %get3A_75 : vector<16xf32>
      %max3A_86 = arith.maximumf %max3A_85, %get3A_80 : vector<16xf32>
      %sub3A = arith.subf %get3A_45, %max3A_86 : vector<16xf32>
      %exp3A = math.exp %sub3A : vector<16xf32>
      %sub3A_87 = arith.subf %get3A_50, %max3A_86 : vector<16xf32>
      %exp3A_88 = math.exp %sub3A_87 : vector<16xf32>
      %sub3A_89 = arith.subf %get3A_55, %max3A_86 : vector<16xf32>
      %exp3A_90 = math.exp %sub3A_89 : vector<16xf32>
      %sub3A_91 = arith.subf %get3A_60, %max3A_86 : vector<16xf32>
      %exp3A_92 = math.exp %sub3A_91 : vector<16xf32>
      %sub3A_93 = arith.subf %get3A_65, %max3A_86 : vector<16xf32>
      %exp3A_94 = math.exp %sub3A_93 : vector<16xf32>
      %sub3A_95 = arith.subf %get3A_70, %max3A_86 : vector<16xf32>
      %exp3A_96 = math.exp %sub3A_95 : vector<16xf32>
      %sub3A_97 = arith.subf %get3A_75, %max3A_86 : vector<16xf32>
      %exp3A_98 = math.exp %sub3A_97 : vector<16xf32>
      %sub3A_99 = arith.subf %get3A_80, %max3A_86 : vector<16xf32>
      %exp3A_100 = math.exp %sub3A_99 : vector<16xf32>
      %add3A_101 = arith.addf %exp3A, %exp3A_88 : vector<16xf32>
      %add3A_102 = arith.addf %add3A_101, %exp3A_90 : vector<16xf32>
      %add3A_103 = arith.addf %add3A_102, %exp3A_92 : vector<16xf32>
      %add3A_104 = arith.addf %add3A_103, %exp3A_94 : vector<16xf32>
      %add3A_105 = arith.addf %add3A_104, %exp3A_96 : vector<16xf32>
      %add3A_106 = arith.addf %add3A_105, %exp3A_98 : vector<16xf32>
      %add3A_107 = arith.addf %add3A_106, %exp3A_100 : vector<16xf32>
      %div3A = arith.constant 1.000000e+00 : f32
      %div3A_108 = vector.broadcast %div3A : f32 to vector<16xf32>
      %div3A_109 = arith.divf %div3A_108, %add3A_107 : vector<16xf32>
      %broadcast_in_dim3A = arith.constant 0.000000e+00 : f32
      %broadcast_in_dim3A_110 = vector.broadcast %broadcast_in_dim3A : f32 to vector<16xf32>
      %mul3A_111 = arith.mulf %exp3A, %div3A_109 : vector<16xf32>
      %swap3A = arith.constant 0 : i32
      %swap3A_112 = arith.index_cast %swap3A : i32 to index
      %swap3A_113 = arith.index_cast %mul3A_41 : i32 to index
      %swap3A_114 = tpu.vector_load %arg7[%swap3A_112, %swap3A_113] {strides = array<i32>} : memref<8x1024xf32, #tpu.memory_space<vmem>>, vector<1x16xf32>,
      %swap3A_115 = vector.shape_cast %swap3A_114 : vector<1x16xf32> to vector<16xf32>
      %swap3A_116 = vector.shape_cast %mul3A_111 : vector<16xf32> to vector<1x16xf32>
      tpu.vector_store %arg7[%swap3A_112, %swap3A_113], %swap3A_116 {strides = array<i32>} : memref<8x1024xf32, #tpu.memory_space<vmem>>, vector<1x16xf32>,
      %mul3A_117 = arith.mulf %mul3A_111, %get3A_45 : vector<16xf32>
      %add3A_118 = arith.addf %broadcast_in_dim3A_110, %mul3A_117 : vector<16xf32>
      %mul3A_119 = arith.mulf %exp3A_88, %div3A_109 : vector<16xf32>
      %swap3A_120 = arith.constant 1 : i32
      %swap3A_121 = arith.index_cast %swap3A_120 : i32 to index
      %swap3A_122 = arith.index_cast %mul3A_41 : i32 to index
      %swap3A_123 = tpu.vector_load %arg7[%swap3A_121, %swap3A_122] {strides = array<i32>} : memref<8x1024xf32, #tpu.memory_space<vmem>>, vector<1x16xf32>,
      %swap3A_124 = vector.shape_cast %swap3A_123 : vector<1x16xf32> to vector<16xf32>
      %swap3A_125 = vector.shape_cast %mul3A_119 : vector<16xf32> to vector<1x16xf32>
      tpu.vector_store %arg7[%swap3A_121, %swap3A_122], %swap3A_125 {strides = array<i32>} : memref<8x1024xf32, #tpu.memory_space<vmem>>, vector<1x16xf32>,
      %mul3A_126 = arith.mulf %mul3A_119, %get3A_50 : vector<16xf32>
      %add3A_127 = arith.addf %add3A_118, %mul3A_126 : vector<16xf32>
      %mul3A_128 = arith.mulf %exp3A_90, %div3A_109 : vector<16xf32>
      %swap3A_129 = arith.constant 2 : i32
      %swap3A_130 = arith.index_cast %swap3A_129 : i32 to index
      %swap3A_131 = arith.index_cast %mul3A_41 : i32 to index
      %swap3A_132 = tpu.vector_load %arg7[%swap3A_130, %swap3A_131] {strides = array<i32>} : memref<8x1024xf32, #tpu.memory_space<vmem>>, vector<1x16xf32>,
      %swap3A_133 = vector.shape_cast %swap3A_132 : vector<1x16xf32> to vector<16xf32>
      %swap3A_134 = vector.shape_cast %mul3A_128 : vector<16xf32> to vector<1x16xf32>
      tpu.vector_store %arg7[%swap3A_130, %swap3A_131], %swap3A_134 {strides = array<i32>} : memref<8x1024xf32, #tpu.memory_space<vmem>>, vector<1x16xf32>,
      %mul3A_135 = arith.mulf %mul3A_128, %get3A_55 : vector<16xf32>
      %add3A_136 = arith.addf %add3A_127, %mul3A_135 : vector<16xf32>
      %mul3A_137 = arith.mulf %exp3A_92, %div3A_109 : vector<16xf32>
      %swap3A_138 = arith.constant 3 : i32
      %swap3A_139 = arith.index_cast %swap3A_138 : i32 to index
      %swap3A_140 = arith.index_cast %mul3A_41 : i32 to index
      %swap3A_141 = tpu.vector_load %arg7[%swap3A_139, %swap3A_140] {strides = array<i32>} : memref<8x1024xf32, #tpu.memory_space<vmem>>, vector<1x16xf32>,
      %swap3A_142 = vector.shape_cast %swap3A_141 : vector<1x16xf32> to vector<16xf32>
      %swap3A_143 = vector.shape_cast %mul3A_137 : vector<16xf32> to vector<1x16xf32>
      tpu.vector_store %arg7[%swap3A_139, %swap3A_140], %swap3A_143 {strides = array<i32>} : memref<8x1024xf32, #tpu.memory_space<vmem>>, vector<1x16xf32>,
      %mul3A_144 = arith.mulf %mul3A_137, %get3A_60 : vector<16xf32>
      %add3A_145 = arith.addf %add3A_136, %mul3A_144 : vector<16xf32>
      %mul3A_146 = arith.mulf %exp3A_94, %div3A_109 : vector<16xf32>
      %swap3A_147 = arith.constant 4 : i32
      %swap3A_148 = arith.index_cast %swap3A_147 : i32 to index
      %swap3A_149 = arith.index_cast %mul3A_41 : i32 to index
      %swap3A_150 = tpu.vector_load %arg7[%swap3A_148, %swap3A_149] {strides = array<i32>} : memref<8x1024xf32, #tpu.memory_space<vmem>>, vector<1x16xf32>,
      %swap3A_151 = vector.shape_cast %swap3A_150 : vector<1x16xf32> to vector<16xf32>
      %swap3A_152 = vector.shape_cast %mul3A_146 : vector<16xf32> to vector<1x16xf32>
      tpu.vector_store %arg7[%swap3A_148, %swap3A_149], %swap3A_152 {strides = array<i32>} : memref<8x1024xf32, #tpu.memory_space<vmem>>, vector<1x16xf32>,
      %mul3A_153 = arith.mulf %mul3A_146, %get3A_65 : vector<16xf32>
      %add3A_154 = arith.addf %add3A_145, %mul3A_153 : vector<16xf32>
      %mul3A_155 = arith.mulf %exp3A_96, %div3A_109 : vector<16xf32>
      %swap3A_156 = arith.constant 5 : i32
      %swap3A_157 = arith.index_cast %swap3A_156 : i32 to index
      %swap3A_158 = arith.index_cast %mul3A_41 : i32 to index
      %swap3A_159 = tpu.vector_load %arg7[%swap3A_157, %swap3A_158] {strides = array<i32>} : memref<8x1024xf32, #tpu.memory_space<vmem>>, vector<1x16xf32>,
      %swap3A_160 = vector.shape_cast %swap3A_159 : vector<1x16xf32> to vector<16xf32>
      %swap3A_161 = vector.shape_cast %mul3A_155 : vector<16xf32> to vector<1x16xf32>
      tpu.vector_store %arg7[%swap3A_157, %swap3A_158], %swap3A_161 {strides = array<i32>} : memref<8x1024xf32, #tpu.memory_space<vmem>>, vector<1x16xf32>,
      %mul3A_162 = arith.mulf %mul3A_155, %get3A_70 : vector<16xf32>
      %add3A_163 = arith.addf %add3A_154, %mul3A_162 : vector<16xf32>
      %mul3A_164 = arith.mulf %exp3A_98, %div3A_109 : vector<16xf32>
      %swap3A_165 = arith.constant 6 : i32
      %swap3A_166 = arith.index_cast %swap3A_165 : i32 to index
      %swap3A_167 = arith.index_cast %mul3A_41 : i32 to index
      %swap3A_168 = tpu.vector_load %arg7[%swap3A_166, %swap3A_167] {strides = array<i32>} : memref<8x1024xf32, #tpu.memory_space<vmem>>, vector<1x16xf32>,
      %swap3A_169 = vector.shape_cast %swap3A_168 : vector<1x16xf32> to vector<16xf32>
      %swap3A_170 = vector.shape_cast %mul3A_164 : vector<16xf32> to vector<1x16xf32>
      tpu.vector_store %arg7[%swap3A_166, %swap3A_167], %swap3A_170 {strides = array<i32>} : memref<8x1024xf32, #tpu.memory_space<vmem>>, vector<1x16xf32>,
      %mul3A_171 = arith.mulf %mul3A_164, %get3A_75 : vector<16xf32>
      %add3A_172 = arith.addf %add3A_163, %mul3A_171 : vector<16xf32>
      %mul3A_173 = arith.mulf %exp3A_100, %div3A_109 : vector<16xf32>
      %swap3A_174 = arith.constant 7 : i32
      %swap3A_175 = arith.index_cast %swap3A_174 : i32 to index
      %swap3A_176 = arith.index_cast %mul3A_41 : i32 to index
      %swap3A_177 = tpu.vector_load %arg7[%swap3A_175, %swap3A_176] {strides = array<i32>} : memref<8x1024xf32, #tpu.memory_space<vmem>>, vector<1x16xf32>,
      %swap3A_178 = vector.shape_cast %swap3A_177 : vector<1x16xf32> to vector<16xf32>
      %swap3A_179 = vector.shape_cast %mul3A_173 : vector<16xf32> to vector<1x16xf32>
      tpu.vector_store %arg7[%swap3A_175, %swap3A_176], %swap3A_179 {strides = array<i32>} : memref<8x1024xf32, #tpu.memory_space<vmem>>, vector<1x16xf32>,
      %mul3A_180 = arith.mulf %mul3A_173, %get3A_80 : vector<16xf32>
      %add3A_181 = arith.addf %add3A_172, %mul3A_180 : vector<16xf32>
      %sub3A_182 = arith.subf %max3A_86, %add3A_181 : vector<16xf32>
      %swap3A_183 = arith.index_cast %mul3A_41 : i32 to index
      %swap3A_184 = tpu.vector_load %arg8[%swap3A_183] {strides = array<i32>} : memref<1024xf32, #tpu.memory_space<vmem>>, vector<16xf32>,
      %swap3A_185 = vector.shape_cast %swap3A_184 : vector<16xf32> to vector<16xf32>
      %swap3A_186 = vector.shape_cast %sub3A_182 : vector<16xf32> to vector<16xf32>
      tpu.vector_store %arg8[%swap3A_183], %swap3A_186 {strides = array<i32>} : memref<1024xf32, #tpu.memory_space<vmem>>, vector<16xf32>,
      %swap3A_187 = arith.index_cast %mul3A_41 : i32 to index
      %swap3A_188 = tpu.vector_load %arg9[%swap3A_187] {strides = array<i32>} : memref<1024xf32, #tpu.memory_space<vmem>>, vector<16xf32>,
      %swap3A_189 = vector.shape_cast %swap3A_188 : vector<16xf32> to vector<16xf32>
      %swap3A_190 = vector.shape_cast %add3A_107 : vector<16xf32> to vector<16xf32>
      tpu.vector_store %arg9[%swap3A_187], %swap3A_190 {strides = array<i32>} : memref<1024xf32, #tpu.memory_space<vmem>>, vector<16xf32>,
    }
    %scan3A_22 = arith.constant 64 : i32
    %run_scoped3A_23 = arith.constant 0 : i32
    %run_scoped3A_24 = arith.constant 0 : i32
    "tpu.region"() ({
      %run_scoped3A_39 = tpu.sem_alloc : memref<!tpu.dma_semaphore, #tpu.memory_space<semaphore_mem>>
      %dma_start3A = arith.constant 0 : i32
      %dma_start3A_40 = tpu.memref_slice %arg7[%run_scoped3A_23, %dma_start3A] : memref<8x1024xf32, #tpu.memory_space<vmem>> -> memref<1x1024xf32, #tpu.memory_space<vmem>>
      %dma_start3A_41 = tpu.memref_squeeze %dma_start3A_40 : memref<1x1024xf32, #tpu.memory_space<vmem>> -> memref<1024xf32, #tpu.memory_space<vmem>>
      %dma_start3A_42 = tpu.memref_slice %arg3[%run_scoped3A_24, %mul3A_2] : memref<8x32768xf32, #tpu.memory_space<hbm>> -> memref<1x1024xf32, #tpu.memory_space<hbm>>
      %dma_start3A_43 = tpu.memref_squeeze %dma_start3A_42 : memref<1x1024xf32, #tpu.memory_space<hbm>> -> memref<1024xf32, #tpu.memory_space<hbm>>
      %dma_start3A_44 = tpu.memref_slice %arg3[%run_scoped3A_24, %mul3A_2] : memref<8x32768xf32, #tpu.memory_space<hbm>> -> memref<1x1024xf32, #tpu.memory_space<hbm>>
      %dma_start3A_45 = tpu.memref_squeeze %dma_start3A_44 : memref<1x1024xf32, #tpu.memory_space<hbm>> -> memref<1024xf32, #tpu.memory_space<hbm>>
      %dma_start3A_46 = arith.constant 0 : i32
      %dma_start3A_47 = tpu.memref_slice %arg7[%run_scoped3A_23, %dma_start3A_46] : memref<8x1024xf32, #tpu.memory_space<vmem>> -> memref<1x1024xf32, #tpu.memory_space<vmem>>
      %dma_start3A_48 = tpu.memref_squeeze %dma_start3A_47 : memref<1x1024xf32, #tpu.memory_space<vmem>> -> memref<1024xf32, #tpu.memory_space<vmem>>
      tpu.enqueue_dma source(%dma_start3A_48 : memref<1024xf32, #tpu.memory_space<vmem>>) target(%dma_start3A_45 : memref<1024xf32, #tpu.memory_space<hbm>>) target_semaphore(%run_scoped3A_39 : memref<!tpu.dma_semaphore, #tpu.memory_space<semaphore_mem>>)
      %dma_wait3A = arith.constant 0 : i32
      %dma_wait3A_49 = tpu.memref_slice %arg7[%run_scoped3A_23, %dma_wait3A] : memref<8x1024xf32, #tpu.memory_space<vmem>> -> memref<1x1024xf32, #tpu.memory_space<vmem>>
      %dma_wait3A_50 = tpu.memref_squeeze %dma_wait3A_49 : memref<1x1024xf32, #tpu.memory_space<vmem>> -> memref<1024xf32, #tpu.memory_space<vmem>>
      %dma_wait3A_51 = tpu.memref_slice %arg3[%run_scoped3A_24, %mul3A_2] : memref<8x32768xf32, #tpu.memory_space<hbm>> -> memref<1x1024xf32, #tpu.memory_space<hbm>>
      %dma_wait3A_52 = tpu.memref_squeeze %dma_wait3A_51 : memref<1x1024xf32, #tpu.memory_space<hbm>> -> memref<1024xf32, #tpu.memory_space<hbm>>
      %dma_wait3A_53 = tpu.memref_slice %arg3[%run_scoped3A_24, %mul3A_2] : memref<8x32768xf32, #tpu.memory_space<hbm>> -> memref<1x1024xf32, #tpu.memory_space<hbm>>
      %dma_wait3A_54 = tpu.memref_squeeze %dma_wait3A_53 : memref<1x1024xf32, #tpu.memory_space<hbm>> -> memref<1024xf32, #tpu.memory_space<hbm>>
      %dma_wait3A_55 = arith.constant 0 : i32
      %dma_wait3A_56 = tpu.memref_slice %arg7[%run_scoped3A_23, %dma_wait3A_55] : memref<8x1024xf32, #tpu.memory_space<vmem>> -> memref<1x1024xf32, #tpu.memory_space<vmem>>
      %dma_wait3A_57 = tpu.memref_squeeze %dma_wait3A_56 : memref<1x1024xf32, #tpu.memory_space<vmem>> -> memref<1024xf32, #tpu.memory_space<vmem>>
      tpu.wait_dma2 semaphore(%run_scoped3A_39 : memref<!tpu.dma_semaphore, #tpu.memory_space<semaphore_mem>>) src(%dma_wait3A_57 : memref<1024xf32, #tpu.memory_space<vmem>>) dst(%dma_wait3A_54 : memref<1024xf32, #tpu.memory_space<hbm>>)
      tpu.yield
    }) : () -> ()
    %run_scoped3A_25 = arith.constant 1 : i32
    %run_scoped3A_26 = arith.constant 1 : i32
    "tpu.region"() ({
      %run_scoped3A_39 = tpu.sem_alloc : memref<!tpu.dma_semaphore, #tpu.memory_space<semaphore_mem>>
      %dma_start3A = arith.constant 0 : i32
      %dma_start3A_40 = tpu.memref_slice %arg7[%run_scoped3A_25, %dma_start3A] : memref<8x1024xf32, #tpu.memory_space<vmem>> -> memref<1x1024xf32, #tpu.memory_space<vmem>>
      %dma_start3A_41 = tpu.memref_squeeze %dma_start3A_40 : memref<1x1024xf32, #tpu.memory_space<vmem>> -> memref<1024xf32, #tpu.memory_space<vmem>>
      %dma_start3A_42 = tpu.memref_slice %arg3[%run_scoped3A_26, %mul3A_2] : memref<8x32768xf32, #tpu.memory_space<hbm>> -> memref<1x1024xf32, #tpu.memory_space<hbm>>
      %dma_start3A_43 = tpu.memref_squeeze %dma_start3A_42 : memref<1x1024xf32, #tpu.memory_space<hbm>> -> memref<1024xf32, #tpu.memory_space<hbm>>
      %dma_start3A_44 = tpu.memref_slice %arg3[%run_scoped3A_26, %mul3A_2] : memref<8x32768xf32, #tpu.memory_space<hbm>> -> memref<1x1024xf32, #tpu.memory_space<hbm>>
      %dma_start3A_45 = tpu.memref_squeeze %dma_start3A_44 : memref<1x1024xf32, #tpu.memory_space<hbm>> -> memref<1024xf32, #tpu.memory_space<hbm>>
      %dma_start3A_46 = arith.constant 0 : i32
      %dma_start3A_47 = tpu.memref_slice %arg7[%run_scoped3A_25, %dma_start3A_46] : memref<8x1024xf32, #tpu.memory_space<vmem>> -> memref<1x1024xf32, #tpu.memory_space<vmem>>
      %dma_start3A_48 = tpu.memref_squeeze %dma_start3A_47 : memref<1x1024xf32, #tpu.memory_space<vmem>> -> memref<1024xf32, #tpu.memory_space<vmem>>
      tpu.enqueue_dma source(%dma_start3A_48 : memref<1024xf32, #tpu.memory_space<vmem>>) target(%dma_start3A_45 : memref<1024xf32, #tpu.memory_space<hbm>>) target_semaphore(%run_scoped3A_39 : memref<!tpu.dma_semaphore, #tpu.memory_space<semaphore_mem>>)
      %dma_wait3A = arith.constant 0 : i32
      %dma_wait3A_49 = tpu.memref_slice %arg7[%run_scoped3A_25, %dma_wait3A] : memref<8x1024xf32, #tpu.memory_space<vmem>> -> memref<1x1024xf32, #tpu.memory_space<vmem>>
      %dma_wait3A_50 = tpu.memref_squeeze %dma_wait3A_49 : memref<1x1024xf32, #tpu.memory_space<vmem>> -> memref<1024xf32, #tpu.memory_space<vmem>>
      %dma_wait3A_51 = tpu.memref_slice %arg3[%run_scoped3A_26, %mul3A_2] : memref<8x32768xf32, #tpu.memory_space<hbm>> -> memref<1x1024xf32, #tpu.memory_space<hbm>>
      %dma_wait3A_52 = tpu.memref_squeeze %dma_wait3A_51 : memref<1x1024xf32, #tpu.memory_space<hbm>> -> memref<1024xf32, #tpu.memory_space<hbm>>
      %dma_wait3A_53 = tpu.memref_slice %arg3[%run_scoped3A_26, %mul3A_2] : memref<8x32768xf32, #tpu.memory_space<hbm>> -> memref<1x1024xf32, #tpu.memory_space<hbm>>
      %dma_wait3A_54 = tpu.memref_squeeze %dma_wait3A_53 : memref<1x1024xf32, #tpu.memory_space<hbm>> -> memref<1024xf32, #tpu.memory_space<hbm>>
      %dma_wait3A_55 = arith.constant 0 : i32
      %dma_wait3A_56 = tpu.memref_slice %arg7[%run_scoped3A_25, %dma_wait3A_55] : memref<8x1024xf32, #tpu.memory_space<vmem>> -> memref<1x1024xf32, #tpu.memory_space<vmem>>
      %dma_wait3A_57 = tpu.memref_squeeze %dma_wait3A_56 : memref<1x1024xf32, #tpu.memory_space<vmem>> -> memref<1024xf32, #tpu.memory_space<vmem>>
      tpu.wait_dma2 semaphore(%run_scoped3A_39 : memref<!tpu.dma_semaphore, #tpu.memory_space<semaphore_mem>>) src(%dma_wait3A_57 : memref<1024xf32, #tpu.memory_space<vmem>>) dst(%dma_wait3A_54 : memref<1024xf32, #tpu.memory_space<hbm>>)
      tpu.yield
    }) : () -> ()
    %run_scoped3A_27 = arith.constant 2 : i32
    %run_scoped3A_28 = arith.constant 2 : i32
    "tpu.region"() ({
      %run_scoped3A_39 = tpu.sem_alloc : memref<!tpu.dma_semaphore, #tpu.memory_space<semaphore_mem>>
      %dma_start3A = arith.constant 0 : i32
      %dma_start3A_40 = tpu.memref_slice %arg7[%run_scoped3A_27, %dma_start3A] : memref<8x1024xf32, #tpu.memory_space<vmem>> -> memref<1x1024xf32, #tpu.memory_space<vmem>>
      %dma_start3A_41 = tpu.memref_squeeze %dma_start3A_40 : memref<1x1024xf32, #tpu.memory_space<vmem>> -> memref<1024xf32, #tpu.memory_space<vmem>>
      %dma_start3A_42 = tpu.memref_slice %arg3[%run_scoped3A_28, %mul3A_2] : memref<8x32768xf32, #tpu.memory_space<hbm>> -> memref<1x1024xf32, #tpu.memory_space<hbm>>
      %dma_start3A_43 = tpu.memref_squeeze %dma_start3A_42 : memref<1x1024xf32, #tpu.memory_space<hbm>> -> memref<1024xf32, #tpu.memory_space<hbm>>
      %dma_start3A_44 = tpu.memref_slice %arg3[%run_scoped3A_28, %mul3A_2] : memref<8x32768xf32, #tpu.memory_space<hbm>> -> memref<1x1024xf32, #tpu.memory_space<hbm>>
      %dma_start3A_45 = tpu.memref_squeeze %dma_start3A_44 : memref<1x1024xf32, #tpu.memory_space<hbm>> -> memref<1024xf32, #tpu.memory_space<hbm>>
      %dma_start3A_46 = arith.constant 0 : i32
      %dma_start3A_47 = tpu.memref_slice %arg7[%run_scoped3A_27, %dma_start3A_46] : memref<8x1024xf32, #tpu.memory_space<vmem>> -> memref<1x1024xf32, #tpu.memory_space<vmem>>
      %dma_start3A_48 = tpu.memref_squeeze %dma_start3A_47 : memref<1x1024xf32, #tpu.memory_space<vmem>> -> memref<1024xf32, #tpu.memory_space<vmem>>
      tpu.enqueue_dma source(%dma_start3A_48 : memref<1024xf32, #tpu.memory_space<vmem>>) target(%dma_start3A_45 : memref<1024xf32, #tpu.memory_space<hbm>>) target_semaphore(%run_scoped3A_39 : memref<!tpu.dma_semaphore, #tpu.memory_space<semaphore_mem>>)
      %dma_wait3A = arith.constant 0 : i32
      %dma_wait3A_49 = tpu.memref_slice %arg7[%run_scoped3A_27, %dma_wait3A] : memref<8x1024xf32, #tpu.memory_space<vmem>> -> memref<1x1024xf32, #tpu.memory_space<vmem>>
      %dma_wait3A_50 = tpu.memref_squeeze %dma_wait3A_49 : memref<1x1024xf32, #tpu.memory_space<vmem>> -> memref<1024xf32, #tpu.memory_space<vmem>>
      %dma_wait3A_51 = tpu.memref_slice %arg3[%run_scoped3A_28, %mul3A_2] : memref<8x32768xf32, #tpu.memory_space<hbm>> -> memref<1x1024xf32, #tpu.memory_space<hbm>>
      %dma_wait3A_52 = tpu.memref_squeeze %dma_wait3A_51 : memref<1x1024xf32, #tpu.memory_space<hbm>> -> memref<1024xf32, #tpu.memory_space<hbm>>
      %dma_wait3A_53 = tpu.memref_slice %arg3[%run_scoped3A_28, %mul3A_2] : memref<8x32768xf32, #tpu.memory_space<hbm>> -> memref<1x1024xf32, #tpu.memory_space<hbm>>
      %dma_wait3A_54 = tpu.memref_squeeze %dma_wait3A_53 : memref<1x1024xf32, #tpu.memory_space<hbm>> -> memref<1024xf32, #tpu.memory_space<hbm>>
      %dma_wait3A_55 = arith.constant 0 : i32
      %dma_wait3A_56 = tpu.memref_slice %arg7[%run_scoped3A_27, %dma_wait3A_55] : memref<8x1024xf32, #tpu.memory_space<vmem>> -> memref<1x1024xf32, #tpu.memory_space<vmem>>
      %dma_wait3A_57 = tpu.memref_squeeze %dma_wait3A_56 : memref<1x1024xf32, #tpu.memory_space<vmem>> -> memref<1024xf32, #tpu.memory_space<vmem>>
      tpu.wait_dma2 semaphore(%run_scoped3A_39 : memref<!tpu.dma_semaphore, #tpu.memory_space<semaphore_mem>>) src(%dma_wait3A_57 : memref<1024xf32, #tpu.memory_space<vmem>>) dst(%dma_wait3A_54 : memref<1024xf32, #tpu.memory_space<hbm>>)
      tpu.yield
    }) : () -> ()
    %run_scoped3A_29 = arith.constant 3 : i32
    %run_scoped3A_30 = arith.constant 3 : i32
    "tpu.region"() ({
      %run_scoped3A_39 = tpu.sem_alloc : memref<!tpu.dma_semaphore, #tpu.memory_space<semaphore_mem>>
      %dma_start3A = arith.constant 0 : i32
      %dma_start3A_40 = tpu.memref_slice %arg7[%run_scoped3A_29, %dma_start3A] : memref<8x1024xf32, #tpu.memory_space<vmem>> -> memref<1x1024xf32, #tpu.memory_space<vmem>>
      %dma_start3A_41 = tpu.memref_squeeze %dma_start3A_40 : memref<1x1024xf32, #tpu.memory_space<vmem>> -> memref<1024xf32, #tpu.memory_space<vmem>>
      %dma_start3A_42 = tpu.memref_slice %arg3[%run_scoped3A_30, %mul3A_2] : memref<8x32768xf32, #tpu.memory_space<hbm>> -> memref<1x1024xf32, #tpu.memory_space<hbm>>
      %dma_start3A_43 = tpu.memref_squeeze %dma_start3A_42 : memref<1x1024xf32, #tpu.memory_space<hbm>> -> memref<1024xf32, #tpu.memory_space<hbm>>
      %dma_start3A_44 = tpu.memref_slice %arg3[%run_scoped3A_30, %mul3A_2] : memref<8x32768xf32, #tpu.memory_space<hbm>> -> memref<1x1024xf32, #tpu.memory_space<hbm>>
      %dma_start3A_45 = tpu.memref_squeeze %dma_start3A_44 : memref<1x1024xf32, #tpu.memory_space<hbm>> -> memref<1024xf32, #tpu.memory_space<hbm>>
      %dma_start3A_46 = arith.constant 0 : i32
      %dma_start3A_47 = tpu.memref_slice %arg7[%run_scoped3A_29, %dma_start3A_46] : memref<8x1024xf32, #tpu.memory_space<vmem>> -> memref<1x1024xf32, #tpu.memory_space<vmem>>
      %dma_start3A_48 = tpu.memref_squeeze %dma_start3A_47 : memref<1x1024xf32, #tpu.memory_space<vmem>> -> memref<1024xf32, #tpu.memory_space<vmem>>
      tpu.enqueue_dma source(%dma_start3A_48 : memref<1024xf32, #tpu.memory_space<vmem>>) target(%dma_start3A_45 : memref<1024xf32, #tpu.memory_space<hbm>>) target_semaphore(%run_scoped3A_39 : memref<!tpu.dma_semaphore, #tpu.memory_space<semaphore_mem>>)
      %dma_wait3A = arith.constant 0 : i32
      %dma_wait3A_49 = tpu.memref_slice %arg7[%run_scoped3A_29, %dma_wait3A] : memref<8x1024xf32, #tpu.memory_space<vmem>> -> memref<1x1024xf32, #tpu.memory_space<vmem>>
      %dma_wait3A_50 = tpu.memref_squeeze %dma_wait3A_49 : memref<1x1024xf32, #tpu.memory_space<vmem>> -> memref<1024xf32, #tpu.memory_space<vmem>>
      %dma_wait3A_51 = tpu.memref_slice %arg3[%run_scoped3A_30, %mul3A_2] : memref<8x32768xf32, #tpu.memory_space<hbm>> -> memref<1x1024xf32, #tpu.memory_space<hbm>>
      %dma_wait3A_52 = tpu.memref_squeeze %dma_wait3A_51 : memref<1x1024xf32, #tpu.memory_space<hbm>> -> memref<1024xf32, #tpu.memory_space<hbm>>
      %dma_wait3A_53 = tpu.memref_slice %arg3[%run_scoped3A_30, %mul3A_2] : memref<8x32768xf32, #tpu.memory_space<hbm>> -> memref<1x1024xf32, #tpu.memory_space<hbm>>
      %dma_wait3A_54 = tpu.memref_squeeze %dma_wait3A_53 : memref<1x1024xf32, #tpu.memory_space<hbm>> -> memref<1024xf32, #tpu.memory_space<hbm>>
      %dma_wait3A_55 = arith.constant 0 : i32
      %dma_wait3A_56 = tpu.memref_slice %arg7[%run_scoped3A_29, %dma_wait3A_55] : memref<8x1024xf32, #tpu.memory_space<vmem>> -> memref<1x1024xf32, #tpu.memory_space<vmem>>
      %dma_wait3A_57 = tpu.memref_squeeze %dma_wait3A_56 : memref<1x1024xf32, #tpu.memory_space<vmem>> -> memref<1024xf32, #tpu.memory_space<vmem>>
      tpu.wait_dma2 semaphore(%run_scoped3A_39 : memref<!tpu.dma_semaphore, #tpu.memory_space<semaphore_mem>>) src(%dma_wait3A_57 : memref<1024xf32, #tpu.memory_space<vmem>>) dst(%dma_wait3A_54 : memref<1024xf32, #tpu.memory_space<hbm>>)
      tpu.yield
    }) : () -> ()
    %run_scoped3A_31 = arith.constant 4 : i32
    %run_scoped3A_32 = arith.constant 4 : i32
    "tpu.region"() ({
      %run_scoped3A_39 = tpu.sem_alloc : memref<!tpu.dma_semaphore, #tpu.memory_space<semaphore_mem>>
      %dma_start3A = arith.constant 0 : i32
      %dma_start3A_40 = tpu.memref_slice %arg7[%run_scoped3A_31, %dma_start3A] : memref<8x1024xf32, #tpu.memory_space<vmem>> -> memref<1x1024xf32, #tpu.memory_space<vmem>>
      %dma_start3A_41 = tpu.memref_squeeze %dma_start3A_40 : memref<1x1024xf32, #tpu.memory_space<vmem>> -> memref<1024xf32, #tpu.memory_space<vmem>>
      %dma_start3A_42 = tpu.memref_slice %arg3[%run_scoped3A_32, %mul3A_2] : memref<8x32768xf32, #tpu.memory_space<hbm>> -> memref<1x1024xf32, #tpu.memory_space<hbm>>
      %dma_start3A_43 = tpu.memref_squeeze %dma_start3A_42 : memref<1x1024xf32, #tpu.memory_space<hbm>> -> memref<1024xf32, #tpu.memory_space<hbm>>
      %dma_start3A_44 = tpu.memref_slice %arg3[%run_scoped3A_32, %mul3A_2] : memref<8x32768xf32, #tpu.memory_space<hbm>> -> memref<1x1024xf32, #tpu.memory_space<hbm>>
      %dma_start3A_45 = tpu.memref_squeeze %dma_start3A_44 : memref<1x1024xf32, #tpu.memory_space<hbm>> -> memref<1024xf32, #tpu.memory_space<hbm>>
      %dma_start3A_46 = arith.constant 0 : i32
      %dma_start3A_47 = tpu.memref_slice %arg7[%run_scoped3A_31, %dma_start3A_46] : memref<8x1024xf32, #tpu.memory_space<vmem>> -> memref<1x1024xf32, #tpu.memory_space<vmem>>
      %dma_start3A_48 = tpu.memref_squeeze %dma_start3A_47 : memref<1x1024xf32, #tpu.memory_space<vmem>> -> memref<1024xf32, #tpu.memory_space<vmem>>
      tpu.enqueue_dma source(%dma_start3A_48 : memref<1024xf32, #tpu.memory_space<vmem>>) target(%dma_start3A_45 : memref<1024xf32, #tpu.memory_space<hbm>>) target_semaphore(%run_scoped3A_39 : memref<!tpu.dma_semaphore, #tpu.memory_space<semaphore_mem>>)
      %dma_wait3A = arith.constant 0 : i32
      %dma_wait3A_49 = tpu.memref_slice %arg7[%run_scoped3A_31, %dma_wait3A] : memref<8x1024xf32, #tpu.memory_space<vmem>> -> memref<1x1024xf32, #tpu.memory_space<vmem>>
      %dma_wait3A_50 = tpu.memref_squeeze %dma_wait3A_49 : memref<1x1024xf32, #tpu.memory_space<vmem>> -> memref<1024xf32, #tpu.memory_space<vmem>>
      %dma_wait3A_51 = tpu.memref_slice %arg3[%run_scoped3A_32, %mul3A_2] : memref<8x32768xf32, #tpu.memory_space<hbm>> -> memref<1x1024xf32, #tpu.memory_space<hbm>>
      %dma_wait3A_52 = tpu.memref_squeeze %dma_wait3A_51 : memref<1x1024xf32, #tpu.memory_space<hbm>> -> memref<1024xf32, #tpu.memory_space<hbm>>
      %dma_wait3A_53 = tpu.memref_slice %arg3[%run_scoped3A_32, %mul3A_2] : memref<8x32768xf32, #tpu.memory_space<hbm>> -> memref<1x1024xf32, #tpu.memory_space<hbm>>
      %dma_wait3A_54 = tpu.memref_squeeze %dma_wait3A_53 : memref<1x1024xf32, #tpu.memory_space<hbm>> -> memref<1024xf32, #tpu.memory_space<hbm>>
      %dma_wait3A_55 = arith.constant 0 : i32
      %dma_wait3A_56 = tpu.memref_slice %arg7[%run_scoped3A_31, %dma_wait3A_55] : memref<8x1024xf32, #tpu.memory_space<vmem>> -> memref<1x1024xf32, #tpu.memory_space<vmem>>
      %dma_wait3A_57 = tpu.memref_squeeze %dma_wait3A_56 : memref<1x1024xf32, #tpu.memory_space<vmem>> -> memref<1024xf32, #tpu.memory_space<vmem>>
      tpu.wait_dma2 semaphore(%run_scoped3A_39 : memref<!tpu.dma_semaphore, #tpu.memory_space<semaphore_mem>>) src(%dma_wait3A_57 : memref<1024xf32, #tpu.memory_space<vmem>>) dst(%dma_wait3A_54 : memref<1024xf32, #tpu.memory_space<hbm>>)
      tpu.yield
    }) : () -> ()
    %run_scoped3A_33 = arith.constant 5 : i32
    %run_scoped3A_34 = arith.constant 5 : i32
    "tpu.region"() ({
      %run_scoped3A_39 = tpu.sem_alloc : memref<!tpu.dma_semaphore, #tpu.memory_space<semaphore_mem>>
      %dma_start3A = arith.constant 0 : i32
      %dma_start3A_40 = tpu.memref_slice %arg7[%run_scoped3A_33, %dma_start3A] : memref<8x1024xf32, #tpu.memory_space<vmem>> -> memref<1x1024xf32, #tpu.memory_space<vmem>>
      %dma_start3A_41 = tpu.memref_squeeze %dma_start3A_40 : memref<1x1024xf32, #tpu.memory_space<vmem>> -> memref<1024xf32, #tpu.memory_space<vmem>>
      %dma_start3A_42 = tpu.memref_slice %arg3[%run_scoped3A_34, %mul3A_2] : memref<8x32768xf32, #tpu.memory_space<hbm>> -> memref<1x1024xf32, #tpu.memory_space<hbm>>
      %dma_start3A_43 = tpu.memref_squeeze %dma_start3A_42 : memref<1x1024xf32, #tpu.memory_space<hbm>> -> memref<1024xf32, #tpu.memory_space<hbm>>
      %dma_start3A_44 = tpu.memref_slice %arg3[%run_scoped3A_34, %mul3A_2] : memref<8x32768xf32, #tpu.memory_space<hbm>> -> memref<1x1024xf32, #tpu.memory_space<hbm>>
      %dma_start3A_45 = tpu.memref_squeeze %dma_start3A_44 : memref<1x1024xf32, #tpu.memory_space<hbm>> -> memref<1024xf32, #tpu.memory_space<hbm>>
      %dma_start3A_46 = arith.constant 0 : i32
      %dma_start3A_47 = tpu.memref_slice %arg7[%run_scoped3A_33, %dma_start3A_46] : memref<8x1024xf32, #tpu.memory_space<vmem>> -> memref<1x1024xf32, #tpu.memory_space<vmem>>
      %dma_start3A_48 = tpu.memref_squeeze %dma_start3A_47 : memref<1x1024xf32, #tpu.memory_space<vmem>> -> memref<1024xf32, #tpu.memory_space<vmem>>
      tpu.enqueue_dma source(%dma_start3A_48 : memref<1024xf32, #tpu.memory_space<vmem>>) target(%dma_start3A_45 : memref<1024xf32, #tpu.memory_space<hbm>>) target_semaphore(%run_scoped3A_39 : memref<!tpu.dma_semaphore, #tpu.memory_space<semaphore_mem>>)
      %dma_wait3A = arith.constant 0 : i32
      %dma_wait3A_49 = tpu.memref_slice %arg7[%run_scoped3A_33, %dma_wait3A] : memref<8x1024xf32, #tpu.memory_space<vmem>> -> memref<1x1024xf32, #tpu.memory_space<vmem>>
      %dma_wait3A_50 = tpu.memref_squeeze %dma_wait3A_49 : memref<1x1024xf32, #tpu.memory_space<vmem>> -> memref<1024xf32, #tpu.memory_space<vmem>>
      %dma_wait3A_51 = tpu.memref_slice %arg3[%run_scoped3A_34, %mul3A_2] : memref<8x32768xf32, #tpu.memory_space<hbm>> -> memref<1x1024xf32, #tpu.memory_space<hbm>>
      %dma_wait3A_52 = tpu.memref_squeeze %dma_wait3A_51 : memref<1x1024xf32, #tpu.memory_space<hbm>> -> memref<1024xf32, #tpu.memory_space<hbm>>
      %dma_wait3A_53 = tpu.memref_slice %arg3[%run_scoped3A_34, %mul3A_2] : memref<8x32768xf32, #tpu.memory_space<hbm>> -> memref<1x1024xf32, #tpu.memory_space<hbm>>
      %dma_wait3A_54 = tpu.memref_squeeze %dma_wait3A_53 : memref<1x1024xf32, #tpu.memory_space<hbm>> -> memref<1024xf32, #tpu.memory_space<hbm>>
      %dma_wait3A_55 = arith.constant 0 : i32
      %dma_wait3A_56 = tpu.memref_slice %arg7[%run_scoped3A_33, %dma_wait3A_55] : memref<8x1024xf32, #tpu.memory_space<vmem>> -> memref<1x1024xf32, #tpu.memory_space<vmem>>
      %dma_wait3A_57 = tpu.memref_squeeze %dma_wait3A_56 : memref<1x1024xf32, #tpu.memory_space<vmem>> -> memref<1024xf32, #tpu.memory_space<vmem>>
      tpu.wait_dma2 semaphore(%run_scoped3A_39 : memref<!tpu.dma_semaphore, #tpu.memory_space<semaphore_mem>>) src(%dma_wait3A_57 : memref<1024xf32, #tpu.memory_space<vmem>>) dst(%dma_wait3A_54 : memref<1024xf32, #tpu.memory_space<hbm>>)
      tpu.yield
    }) : () -> ()
    %run_scoped3A_35 = arith.constant 6 : i32
    %run_scoped3A_36 = arith.constant 6 : i32
    "tpu.region"() ({
      %run_scoped3A_39 = tpu.sem_alloc : memref<!tpu.dma_semaphore, #tpu.memory_space<semaphore_mem>>
      %dma_start3A = arith.constant 0 : i32
      %dma_start3A_40 = tpu.memref_slice %arg7[%run_scoped3A_35, %dma_start3A] : memref<8x1024xf32, #tpu.memory_space<vmem>> -> memref<1x1024xf32, #tpu.memory_space<vmem>>
      %dma_start3A_41 = tpu.memref_squeeze %dma_start3A_40 : memref<1x1024xf32, #tpu.memory_space<vmem>> -> memref<1024xf32, #tpu.memory_space<vmem>>
      %dma_start3A_42 = tpu.memref_slice %arg3[%run_scoped3A_36, %mul3A_2] : memref<8x32768xf32, #tpu.memory_space<hbm>> -> memref<1x1024xf32, #tpu.memory_space<hbm>>
      %dma_start3A_43 = tpu.memref_squeeze %dma_start3A_42 : memref<1x1024xf32, #tpu.memory_space<hbm>> -> memref<1024xf32, #tpu.memory_space<hbm>>
      %dma_start3A_44 = tpu.memref_slice %arg3[%run_scoped3A_36, %mul3A_2] : memref<8x32768xf32, #tpu.memory_space<hbm>> -> memref<1x1024xf32, #tpu.memory_space<hbm>>
      %dma_start3A_45 = tpu.memref_squeeze %dma_start3A_44 : memref<1x1024xf32, #tpu.memory_space<hbm>> -> memref<1024xf32, #tpu.memory_space<hbm>>
      %dma_start3A_46 = arith.constant 0 : i32
      %dma_start3A_47 = tpu.memref_slice %arg7[%run_scoped3A_35, %dma_start3A_46] : memref<8x1024xf32, #tpu.memory_space<vmem>> -> memref<1x1024xf32, #tpu.memory_space<vmem>>
      %dma_start3A_48 = tpu.memref_squeeze %dma_start3A_47 : memref<1x1024xf32, #tpu.memory_space<vmem>> -> memref<1024xf32, #tpu.memory_space<vmem>>
      tpu.enqueue_dma source(%dma_start3A_48 : memref<1024xf32, #tpu.memory_space<vmem>>) target(%dma_start3A_45 : memref<1024xf32, #tpu.memory_space<hbm>>) target_semaphore(%run_scoped3A_39 : memref<!tpu.dma_semaphore, #tpu.memory_space<semaphore_mem>>)
      %dma_wait3A = arith.constant 0 : i32
      %dma_wait3A_49 = tpu.memref_slice %arg7[%run_scoped3A_35, %dma_wait3A] : memref<8x1024xf32, #tpu.memory_space<vmem>> -> memref<1x1024xf32, #tpu.memory_space<vmem>>
      %dma_wait3A_50 = tpu.memref_squeeze %dma_wait3A_49 : memref<1x1024xf32, #tpu.memory_space<vmem>> -> memref<1024xf32, #tpu.memory_space<vmem>>
      %dma_wait3A_51 = tpu.memref_slice %arg3[%run_scoped3A_36, %mul3A_2] : memref<8x32768xf32, #tpu.memory_space<hbm>> -> memref<1x1024xf32, #tpu.memory_space<hbm>>
      %dma_wait3A_52 = tpu.memref_squeeze %dma_wait3A_51 : memref<1x1024xf32, #tpu.memory_space<hbm>> -> memref<1024xf32, #tpu.memory_space<hbm>>
      %dma_wait3A_53 = tpu.memref_slice %arg3[%run_scoped3A_36, %mul3A_2] : memref<8x32768xf32, #tpu.memory_space<hbm>> -> memref<1x1024xf32, #tpu.memory_space<hbm>>
      %dma_wait3A_54 = tpu.memref_squeeze %dma_wait3A_53 : memref<1x1024xf32, #tpu.memory_space<hbm>> -> memref<1024xf32, #tpu.memory_space<hbm>>
      %dma_wait3A_55 = arith.constant 0 : i32
      %dma_wait3A_56 = tpu.memref_slice %arg7[%run_scoped3A_35, %dma_wait3A_55] : memref<8x1024xf32, #tpu.memory_space<vmem>> -> memref<1x1024xf32, #tpu.memory_space<vmem>>
      %dma_wait3A_57 = tpu.memref_squeeze %dma_wait3A_56 : memref<1x1024xf32, #tpu.memory_space<vmem>> -> memref<1024xf32, #tpu.memory_space<vmem>>
      tpu.wait_dma2 semaphore(%run_scoped3A_39 : memref<!tpu.dma_semaphore, #tpu.memory_space<semaphore_mem>>) src(%dma_wait3A_57 : memref<1024xf32, #tpu.memory_space<vmem>>) dst(%dma_wait3A_54 : memref<1024xf32, #tpu.memory_space<hbm>>)
      tpu.yield
    }) : () -> ()
    %run_scoped3A_37 = arith.constant 7 : i32
    %run_scoped3A_38 = arith.constant 7 : i32
    "tpu.region"() ({
      %run_scoped3A_39 = tpu.sem_alloc : memref<!tpu.dma_semaphore, #tpu.memory_space<semaphore_mem>>
      %dma_start3A = arith.constant 0 : i32
      %dma_start3A_40 = tpu.memref_slice %arg7[%run_scoped3A_37, %dma_start3A] : memref<8x1024xf32, #tpu.memory_space<vmem>> -> memref<1x1024xf32, #tpu.memory_space<vmem>>
      %dma_start3A_41 = tpu.memref_squeeze %dma_start3A_40 : memref<1x1024xf32, #tpu.memory_space<vmem>> -> memref<1024xf32, #tpu.memory_space<vmem>>
      %dma_start3A_42 = tpu.memref_slice %arg3[%run_scoped3A_38, %mul3A_2] : memref<8x32768xf32, #tpu.memory_space<hbm>> -> memref<1x1024xf32, #tpu.memory_space<hbm>>
      %dma_start3A_43 = tpu.memref_squeeze %dma_start3A_42 : memref<1x1024xf32, #tpu.memory_space<hbm>> -> memref<1024xf32, #tpu.memory_space<hbm>>
      %dma_start3A_44 = tpu.memref_slice %arg3[%run_scoped3A_38, %mul3A_2] : memref<8x32768xf32, #tpu.memory_space<hbm>> -> memref<1x1024xf32, #tpu.memory_space<hbm>>
      %dma_start3A_45 = tpu.memref_squeeze %dma_start3A_44 : memref<1x1024xf32, #tpu.memory_space<hbm>> -> memref<1024xf32, #tpu.memory_space<hbm>>
      %dma_start3A_46 = arith.constant 0 : i32
      %dma_start3A_47 = tpu.memref_slice %arg7[%run_scoped3A_37, %dma_start3A_46] : memref<8x1024xf32, #tpu.memory_space<vmem>> -> memref<1x1024xf32, #tpu.memory_space<vmem>>
      %dma_start3A_48 = tpu.memref_squeeze %dma_start3A_47 : memref<1x1024xf32, #tpu.memory_space<vmem>> -> memref<1024xf32, #tpu.memory_space<vmem>>
      tpu.enqueue_dma source(%dma_start3A_48 : memref<1024xf32, #tpu.memory_space<vmem>>) target(%dma_start3A_45 : memref<1024xf32, #tpu.memory_space<hbm>>) target_semaphore(%run_scoped3A_39 : memref<!tpu.dma_semaphore, #tpu.memory_space<semaphore_mem>>)
      %dma_wait3A = arith.constant 0 : i32
      %dma_wait3A_49 = tpu.memref_slice %arg7[%run_scoped3A_37, %dma_wait3A] : memref<8x1024xf32, #tpu.memory_space<vmem>> -> memref<1x1024xf32, #tpu.memory_space<vmem>>
      %dma_wait3A_50 = tpu.memref_squeeze %dma_wait3A_49 : memref<1x1024xf32, #tpu.memory_space<vmem>> -> memref<1024xf32, #tpu.memory_space<vmem>>
      %dma_wait3A_51 = tpu.memref_slice %arg3[%run_scoped3A_38, %mul3A_2] : memref<8x32768xf32, #tpu.memory_space<hbm>> -> memref<1x1024xf32, #tpu.memory_space<hbm>>
      %dma_wait3A_52 = tpu.memref_squeeze %dma_wait3A_51 : memref<1x1024xf32, #tpu.memory_space<hbm>> -> memref<1024xf32, #tpu.memory_space<hbm>>
      %dma_wait3A_53 = tpu.memref_slice %arg3[%run_scoped3A_38, %mul3A_2] : memref<8x32768xf32, #tpu.memory_space<hbm>> -> memref<1x1024xf32, #tpu.memory_space<hbm>>
      %dma_wait3A_54 = tpu.memref_squeeze %dma_wait3A_53 : memref<1x1024xf32, #tpu.memory_space<hbm>> -> memref<1024xf32, #tpu.memory_space<hbm>>
      %dma_wait3A_55 = arith.constant 0 : i32
      %dma_wait3A_56 = tpu.memref_slice %arg7[%run_scoped3A_37, %dma_wait3A_55] : memref<8x1024xf32, #tpu.memory_space<vmem>> -> memref<1x1024xf32, #tpu.memory_space<vmem>>
      %dma_wait3A_57 = tpu.memref_squeeze %dma_wait3A_56 : memref<1x1024xf32, #tpu.memory_space<vmem>> -> memref<1024xf32, #tpu.memory_space<vmem>>
      tpu.wait_dma2 semaphore(%run_scoped3A_39 : memref<!tpu.dma_semaphore, #tpu.memory_space<semaphore_mem>>) src(%dma_wait3A_57 : memref<1024xf32, #tpu.memory_space<vmem>>) dst(%dma_wait3A_54 : memref<1024xf32, #tpu.memory_space<hbm>>)
      tpu.yield
    }) : () -> ()
    "tpu.region"() ({
      %run_scoped3A_39 = tpu.sem_alloc : memref<!tpu.dma_semaphore, #tpu.memory_space<semaphore_mem>>
      %dma_start3A = tpu.memref_slice %arg4[%mul3A_2] : memref<32768xf32, #tpu.memory_space<hbm>> -> memref<1024xf32, #tpu.memory_space<hbm>>
      %dma_start3A_40 = tpu.memref_slice %arg4[%mul3A_2] : memref<32768xf32, #tpu.memory_space<hbm>> -> memref<1024xf32, #tpu.memory_space<hbm>>
      tpu.enqueue_dma source(%arg8 : memref<1024xf32, #tpu.memory_space<vmem>>) target(%dma_start3A_40 : memref<1024xf32, #tpu.memory_space<hbm>>) target_semaphore(%run_scoped3A_39 : memref<!tpu.dma_semaphore, #tpu.memory_space<semaphore_mem>>)
      %dma_wait3A = tpu.memref_slice %arg4[%mul3A_2] : memref<32768xf32, #tpu.memory_space<hbm>> -> memref<1024xf32, #tpu.memory_space<hbm>>
      %dma_wait3A_41 = tpu.memref_slice %arg4[%mul3A_2] : memref<32768xf32, #tpu.memory_space<hbm>> -> memref<1024xf32, #tpu.memory_space<hbm>>
      tpu.wait_dma2 semaphore(%run_scoped3A_39 : memref<!tpu.dma_semaphore, #tpu.memory_space<semaphore_mem>>) src(%arg8 : memref<1024xf32, #tpu.memory_space<vmem>>) dst(%dma_wait3A_41 : memref<1024xf32, #tpu.memory_space<hbm>>)
      tpu.yield
    }) : () -> ()
    "tpu.region"() ({
      %run_scoped3A_39 = tpu.sem_alloc : memref<!tpu.dma_semaphore, #tpu.memory_space<semaphore_mem>>
      %dma_start3A = tpu.memref_slice %arg5[%mul3A_2] : memref<32768xf32, #tpu.memory_space<hbm>> -> memref<1024xf32, #tpu.memory_space<hbm>>
      %dma_start3A_40 = tpu.memref_slice %arg5[%mul3A_2] : memref<32768xf32, #tpu.memory_space<hbm>> -> memref<1024xf32, #tpu.memory_space<hbm>>
      tpu.enqueue_dma source(%arg9 : memref<1024xf32, #tpu.memory_space<vmem>>) target(%dma_start3A_40 : memref<1024xf32, #tpu.memory_space<hbm>>) target_semaphore(%run_scoped3A_39 : memref<!tpu.dma_semaphore, #tpu.memory_space<semaphore_mem>>)
      %dma_wait3A = tpu.memref_slice %arg5[%mul3A_2] : memref<32768xf32, #tpu.memory_space<hbm>> -> memref<1024xf32, #tpu.memory_space<hbm>>
      %dma_wait3A_41 = tpu.memref_slice %arg5[%mul3A_2] : memref<32768xf32, #tpu.memory_space<hbm>> -> memref<1024xf32, #tpu.memory_space<hbm>>
      tpu.wait_dma2 semaphore(%run_scoped3A_39 : memref<!tpu.dma_semaphore, #tpu.memory_space<semaphore_mem>>) src(%arg9 : memref<1024xf32, #tpu.memory_space<vmem>>) dst(%dma_wait3A_41 : memref<1024xf32, #tpu.memory_space<hbm>>)
      tpu.yield
    }) : () -> ()
    return
  }
}

module attributes {stable_mosaic.version = 14 : i64} {
  func.func @_router_blk(%arg0: i32, %arg1: memref<2048x768xf32, #tpu.memory_space<vmem>>, %arg2: memref<8x768xf32, #tpu.memory_space<vmem>>, %arg3: memref<8x2048xf32, #tpu.memory_space<vmem>>, %arg4: memref<8x2048xf32, #tpu.memory_space<vmem>>, %arg5: memref<1x1x2048xf32, #tpu.memory_space<vmem>>) attributes {dimension_semantics = [#tpu.dimension_semantics<arbitrary>], iteration_bounds = array<i64: 16>, scalar_prefetch = 0 : i64, scratch_operands = 0 : i64, tpu.core_type = #tpu.core_type<tc>, window_params = [{transform_indices = @transform_0, window_bounds = array<i64: 2048, 768>}, {pipeline_mode = #tpu.pipeline_mode<synchronous>, transform_indices = @transform_1, window_bounds = array<i64: 8, 768>}, {transform_indices = @transform_2, window_bounds = array<i64: 8, 2048>}, {transform_indices = @transform_3, window_bounds = array<i64: 8, 2048>}, {transform_indices = @transform_4, window_bounds = array<i64: 1, 1, 2048>}]} {
    %get3A = arith.constant 0 : index
    %get3A_0 = arith.constant 0 : index
    %get3A_1 = vector.load %arg1[%get3A, %get3A_0] : memref<2048x768xf32, #tpu.memory_space<vmem>>, vector<2048x768xf32>
    %get3A_2 = arith.constant 0 : index
    %get3A_3 = arith.constant 0 : index
    %get3A_4 = vector.load %arg2[%get3A_2, %get3A_3] : memref<8x768xf32, #tpu.memory_space<vmem>>, vector<8x768xf32>
    %dot_general3A = arith.constant dense<0.000000e+00> : vector<8x2048xf32>
    %dot_general3A_5 = tpu.matmul %get3A_4, %get3A_1, %dot_general3A {dimension_numbers = #tpu.dot_dimension_numbers<[1], [1], [0], [0], [0, 0, 1, 0], [], []>, transpose_lhs_hint = false} : vector<8x768xf32>, vector<2048x768xf32>, vector<8x2048xf32> -> vector<8x2048xf32>
    %reduce_max3A = arith.constant dense<0xFF800000> : vector<2048xf32>
    %reduce_max3A_6 = vector.multi_reduction <maximumf>, %dot_general3A_5, %reduce_max3A [0] : vector<8x2048xf32> to vector<2048xf32>
    %broadcast_in_dim3A = vector.shape_cast %reduce_max3A_6 : vector<2048xf32> to vector<1x2048xf32>
    %sub3A = vector.broadcast %broadcast_in_dim3A : vector<1x2048xf32> to vector<8x2048xf32>
    %sub3A_7 = arith.subf %dot_general3A_5, %sub3A : vector<8x2048xf32>
    %exp3A = math.exp %sub3A_7 : vector<8x2048xf32>
    %reduce_sum3A = arith.constant dense<0.000000e+00> : vector<2048xf32>
    %reduce_sum3A_8 = vector.multi_reduction <add>, %exp3A, %reduce_sum3A [0] : vector<8x2048xf32> to vector<2048xf32>
    %broadcast_in_dim3A_9 = vector.shape_cast %reduce_sum3A_8 : vector<2048xf32> to vector<1x2048xf32>
    %div3A = arith.constant 1.000000e+00 : f32
    %div3A_10 = vector.broadcast %div3A : f32 to vector<1x2048xf32>
    %div3A_11 = arith.divf %div3A_10, %broadcast_in_dim3A_9 : vector<1x2048xf32>
    %mul3A = vector.broadcast %div3A_11 : vector<1x2048xf32> to vector<8x2048xf32>
    %mul3A_12 = arith.mulf %exp3A, %mul3A : vector<8x2048xf32>
    %swap3A = arith.constant 0 : index
    %swap3A_13 = arith.constant 0 : index
    %swap3A_14 = vector.load %arg3[%swap3A, %swap3A_13] : memref<8x2048xf32, #tpu.memory_space<vmem>>, vector<8x2048xf32>
    tpu.vector_store %arg3[%swap3A, %swap3A_13], %dot_general3A_5 {strides = array<i32>} : memref<8x2048xf32, #tpu.memory_space<vmem>>, vector<8x2048xf32>,
    %swap3A_15 = arith.constant 0 : index
    %swap3A_16 = arith.constant 0 : index
    %swap3A_17 = vector.load %arg4[%swap3A_15, %swap3A_16] : memref<8x2048xf32, #tpu.memory_space<vmem>>, vector<8x2048xf32>
    tpu.vector_store %arg4[%swap3A_15, %swap3A_16], %mul3A_12 {strides = array<i32>} : memref<8x2048xf32, #tpu.memory_space<vmem>>, vector<8x2048xf32>,
    %mul3A_18 = arith.mulf %mul3A_12, %dot_general3A_5 : vector<8x2048xf32>
    %reduce_sum3A_19 = arith.constant dense<0.000000e+00> : vector<2048xf32>
    %reduce_sum3A_20 = vector.multi_reduction <add>, %mul3A_18, %reduce_sum3A_19 [0] : vector<8x2048xf32> to vector<2048xf32>
    %broadcast_in_dim3A_21 = vector.shape_cast %reduce_sum3A_20 : vector<2048xf32> to vector<1x2048xf32>
    %log3A = math.log %broadcast_in_dim3A_9 : vector<1x2048xf32>
    %add3A = arith.addf %broadcast_in_dim3A, %log3A : vector<1x2048xf32>
    %sub3A_22 = arith.subf %add3A, %broadcast_in_dim3A_21 : vector<1x2048xf32>
    %swap3A_23 = arith.constant 0 : index
    %swap3A_24 = arith.constant 0 : index
    %swap3A_25 = arith.constant 0 : index
    %swap3A_26 = vector.load %arg5[%swap3A_23, %swap3A_24, %swap3A_25] : memref<1x1x2048xf32, #tpu.memory_space<vmem>>, vector<1x1x2048xf32>
    %swap3A_27 = vector.shape_cast %swap3A_26 : vector<1x1x2048xf32> to vector<1x2048xf32>
    %swap3A_28 = vector.shape_cast %sub3A_22 : vector<1x2048xf32> to vector<1x1x2048xf32>
    tpu.vector_store %arg5[%swap3A_23, %swap3A_24, %swap3A_25], %swap3A_28 {strides = array<i32>} : memref<1x1x2048xf32, #tpu.memory_space<vmem>>, vector<1x1x2048xf32>,
    return
  }
  func.func @transform_0(%arg0: i32) -> (i32, i32) {
    %c0_i32 = arith.constant 0 : i32
    %c0_i32_0 = arith.constant 0 : i32
    return %arg0, %c0_i32 : i32, i32
  }
  func.func @transform_1(%arg0: i32) -> (i32, i32) {
    %c0_i32 = arith.constant 0 : i32
    %c0_i32_0 = arith.constant 0 : i32
    %c0_i32_1 = arith.constant 0 : i32
    return %c0_i32, %c0_i32_0 : i32, i32
  }
  func.func @transform_2(%arg0: i32) -> (i32, i32) {
    %c0_i32 = arith.constant 0 : i32
    %c0_i32_0 = arith.constant 0 : i32
    return %c0_i32, %arg0 : i32, i32
  }
  func.func @transform_3(%arg0: i32) -> (i32, i32) {
    %c0_i32 = arith.constant 0 : i32
    %c0_i32_0 = arith.constant 0 : i32
    return %c0_i32, %arg0 : i32, i32
  }
  func.func @transform_4(%arg0: i32) -> (i32, i32, i32) {
    %c0_i32 = arith.constant 0 : i32
    %c0_i32_0 = arith.constant 0 : i32
    %c0_i32_1 = arith.constant 0 : i32
    return %arg0, %c0_i32, %c0_i32_0 : i32, i32, i32
  }
}

</mosaic_0001>

<sc_bundles>
// kernel: kernel.4.cloned.1.call-start
scs
__scs_entry_jumppad:
0x0: {  	(pc) =	sbr.rel $0x88, $3  }
0x1: {  	(tag) =	ssettag $0x0;
	lr =	simm.s32 $0x1  }
0x2: {  	[smem:$0x3F9F] =	sst lr;
	_ =	strace $0xD0000000  }
0x3: {  	_ = 	snop  }
0x4: {  	_ = 	snop  }
0x5: {  	_ = 	snop  }
0x6: {  	_ = 	snop  }
0x7: {  	_ = 	snop  }
__scs_overlays_trampoline_lowered:
0x8: {  	[smem:$0x3FAE] =	sst s0  }
0x9: {  	[smem:$0x3FAF] =	sst s1  }
0xa: {  	[smem:$0x3FB0] =	sst s2  }
0xb: {  	[smem:$0x3FB1] =	sst s3  }
0xc: {  	[smem:$0x3FB2] =	sst s4  }
0xd: {  	[smem:$0x3FB3] =	sst s5  }
0xe: {  	[smem:$0x3FB4] =	sst s6  }
0xf: {  	[smem:$0x3FB5] =	sst s7  }
0x10: {  	[smem:$0x3FB6] =	sst s8  }
0x11: {  	[smem:$0x3FB7] =	sst s9;
	s0 =	simm.s32 @!p0 $0x0  }
0x12: {  	s1 =	sld [smem:$0x3F9D];
	s0 =	simm.s32 @p0 $0x1  }
0x13: {  	[smem:$0x3FB8] =	sst s0;
	s0 =	simm.s32 @!p1 $0x0  }
0x14: {  	s2 =	sld [smem:$0x3F9C];
	s0 =	simm.s32 @p1 $0x1  }
0x15: {  	[smem:$0x3FB9] =	sst s0;
	s0 =	simm.s32 @!p2 $0x0  }
0x16: {  	s3 =	sld [smem:$0x3FDB];
	s0 =	simm.s32 @p2 $0x1  }
0x17: {  	s4 =	simm.s32 $0x1BF5;
	[smem:$0x3FBB] =	sst s0  }
0x18: {  	s0 =	sld [smem:$0x3F9E];
	_ =	swait.ge [sflag:s4], $0x0  }
0x19: {  	s7 =	sld [smem:$0x3F9F]  }
0x1a: {  	s8 =	sadd.s32 $0xFFFFE003, lr  }
0x1b: {  	s9 =	sadd.s32 $0xFFFFFEF7, lr;
	s5 =	simm.s32 $0xFFFFFFFF;
	p2 =	slt.u32 s8, $0xFFFFF086  }
0x1c: {  	p1 =	slt.u32 s9, $0xF7A;
	s5 =	simm.s32 @!p2 $0x0  }
0x1d: {  	s5 =	simm.s32 @p1 $0x1;
	p0 =	seq.s32 s7, s2  }
0x1e: {  	s7 =	smul.u32 @!p0 $0xF7A, s2;
	p2 =	seq.s32 @!p0 s5, $0x0  }
0x1f: {  	s9 =	smul.u32 $0xF7A, s1;
	s8 =	simm.s32 @!p0 $0x1BF5;
	p2 =	por !p2, p0  }
0x20: {  	[sflag:s8] =	ssyncset.s32 @!p0 $0xFFFFF086;
	s6 =	sadd.s32 @!p0 s3, s7;
	s7 =	simm.s32 @!p0 $0x108  }
0x21: {  	s3 =	sadd.s32 s3, s9;
	s6 =	sadd.s32 @!p0 $0x88, s6;
	s7 =	simm.s32 @p2 $0x1082  }
0x22: {  	[simem:s7], [sflag:s8] =	dma.local @!p0 [hbm:s6], $0xF7A  }
0x23: {  	s9 =	sor.u32 $0xD0000000, s2;
	s6 =	simm.s32 $0x108;
	_ =	swait.ge @!p0 [sflag:s8], $0x0  }
0x24: {  	s3 =	sadd.s32 $0x88, s3;
	s6 =	simm.s32 @!p1 $0x1082;
	[sflag:s4] =	ssyncset.s32 $0xFFFFF086  }
0x25: {  	[simem:s6], [sflag:s4] =	dma.local [hbm:s3], $0xF7A  }
0x26: {  	[smem:$0x3F9F] =	sst s1;
	(tag) =	ssettag s2;
	_ =	strace s9  }
0x27: {  	s1 =	sld [smem:$0x3FAF]  }
0x28: {  	s2 =	sld [smem:$0x3FB0]  }
0x29: {  	s4 =	sld [smem:$0x3FB2]  }
0x2a: {  	p0 =	seq.s32 s5, $0x0;
	s5 =	sld [smem:$0x3FB3]  }
0x2b: {  	s6 =	sld [smem:$0x3FB4]  }
0x2c: {  	s7 =	sld [smem:$0x3FB5]  }
0x2d: {  	s3 =	simm.s32 $0x108;
	s8 =	sld [smem:$0x3FB6]  }
0x2e: {  	s3 =	simm.s32 @!p0 $0x1082;
	s9 =	sld [smem:$0x3FB7]  }
0x2f: {  	lr =	sadd.s32 s0, s3;
	s0 =	sld [smem:$0x3FAE]  }
0x30: {  	s3 =	sld [smem:$0x3FB1]  }
0x31: {  	[smem:$0x3FBA] =	sst s10  }
0x32: {  	s10 =	sld [smem:$0x3FB8];
	_ =	sdelay $0x3  }
0x33: {  	p0 =	seq.s32 s10, $0x1;
	s10 =	sld [smem:$0x3FBA];
	_ =	sdelay $0x3  }
0x34: {  	[smem:$0x3FBA] =	sst s10  }
0x35: {  	s10 =	sld [smem:$0x3FB9];
	_ =	sdelay $0x3  }
0x36: {  	p1 =	seq.s32 s10, $0x1;
	s10 =	sld [smem:$0x3FBA];
	_ =	sdelay $0x3  }
0x37: {  	[smem:$0x3FBA] =	sst s10  }
0x38: {  	s10 =	sld [smem:$0x3FBB]  }
0x39: {  	_ = 	snop;
	(pc) =	sbr.ind lr, $3  }
0x3a: {  	_ = 	snop  }
0x3b: {  	_ = 	snop  }
0x3c: {  	p2 =	seq.s32 s10, $0x1;
	s10 =	sld [smem:$0x3FBA]  }
0x3d: {  	_ =	shalt  }
0x3e: {  	_ =	shalt  }
0x3f: {  	_ =	shalt  }
0x40: {  	_ =	shalt  }
0x41: {  	_ =	shalt  }
0x42: {  	_ =	shalt  }
0x43: {  	_ =	shalt  }
0x44: {  	_ =	shalt  }
0x45: {  	_ =	shalt  }
0x46: {  	_ =	shalt  }
0x47: {  	_ =	shalt  }
0x48: {  	_ =	shalt  }
0x49: {  	_ =	shalt  }
0x4a: {  	_ =	shalt  }
0x4b: {  	_ =	shalt  }
0x4c: {  	_ =	shalt  }
0x4d: {  	_ =	shalt  }
0x4e: {  	_ =	shalt  }
0x4f: {  	_ =	shalt  }
0x50: {  	_ =	shalt  }
0x51: {  	_ =	shalt  }
0x52: {  	_ =	shalt  }
0x53: {  	_ =	shalt  }
0x54: {  	_ =	shalt  }
0x55: {  	_ =	shalt  }
0x56: {  	_ =	shalt  }
0x57: {  	_ =	shalt  }
0x58: {  	_ =	shalt  }
0x59: {  	_ =	shalt  }
0x5a: {  	_ =	shalt  }
0x5b: {  	_ =	shalt  }
0x5c: {  	_ =	shalt  }
0x5d: {  	_ =	shalt  }
0x5e: {  	_ =	shalt  }
0x5f: {  	_ =	shalt  }
0x60: {  	_ =	shalt  }
0x61: {  	_ =	shalt  }
0x62: {  	_ =	shalt  }
0x63: {  	_ =	shalt  }
0x64: {  	_ =	shalt  }
0x65: {  	_ =	shalt  }
0x66: {  	_ =	shalt  }
0x67: {  	_ =	shalt  }
0x68: {  	_ =	shalt  }
0x69: {  	_ =	shalt  }
0x6a: {  	_ =	shalt  }
0x6b: {  	_ =	shalt  }
0x6c: {  	_ =	shalt  }
0x6d: {  	_ =	shalt  }
0x6e: {  	_ =	shalt  }
0x6f: {  	_ =	shalt  }
0x70: {  	_ =	shalt  }
0x71: {  	_ =	shalt  }
0x72: {  	_ =	shalt  }
0x73: {  	_ =	shalt  }
0x74: {  	_ =	shalt  }
0x75: {  	_ =	shalt  }
0x76: {  	_ =	shalt  }
0x77: {  	_ =	shalt  }
0x78: {  	_ =	shalt  }
0x79: {  	_ =	shalt  }
0x7a: {  	_ =	shalt  }
0x7b: {  	_ =	shalt  }
0x7c: {  	_ =	shalt  }
0x7d: {  	_ =	shalt  }
0x7e: {  	_ =	shalt  }
0x7f: {  	_ =	shalt  }
0x80: {  	_ =	shalt  }
0x81: {  	_ =	shalt  }
0x82: {  	_ =	shalt  }
0x83: {  	_ =	shalt  }
0x84: {  	_ =	shalt  }
0x85: {  	_ =	shalt  }
0x86: {  	_ =	shalt  }
0x87: {  	_ =	shalt  }
.Lfunc_end0:
.L_simem_size_0:
called_computation_lowered:
.L_overlay_start_0:
0x88: {  	s2 =	sld [smem:$0x3FD9]  }
0x89: {  	s3 =	sld [smem:$0x3FFE];
	_ =	sdelay $0x1  }
0x8a: {  	s1 =	srdreg.scid  }
0x8b: {  	s0 =	sand.u32 $0x1, s1  }
0x8c: {  	s16 =	sshll.u32 s0, $0xA;
	s2 =	sadd.s32 s3, s2  }
0x8d: {  	s2 =	sadd.s32 s2, s16  }
0x8e: {  	[smem:$0x3FC6] =	sst s2  }
0x8f: {  	_ = 	snop  }
0x90: {  	(tm) =	ssettm $0x1  }
0x91: {  	s17 =	sld [smem:$0x3FFB];
	_ =	sdelay $0x3  }
0x92: {  	_ =	strace s17  }
0x93: {  	s2 =	sld [smem:$0x3FFC];
	_ =	sdelay $0x3  }
0x94: {  	_ =	strace s2  }
0x95: {  	s2 =	sld [smem:$0x3FFD];
	_ =	sdelay $0x3  }
0x96: {  	_ =	strace s2  }
0x97: {  	_ =	strace $0x8FFFFFFF  }
0x98: {  	s18 =	sld [smem:$0x3FDB];
	_ =	sdelay $0x1  }
0x99: {  	s19 =	simm.s32 $_scs_section_size  }
0x9a: {  	s4 =	simm.s32 $_size__tile_overlayer_lowered;
	s5 =	simm.s32 $_tile_overlayer_lowered  }
0x9b: {  	s22 =	simm.s32 $0x1BFF;
	s21 =	sshll.u32 s5, $0x1;
	s2 =	sadd.s32 s19, s18  }
0x9c: {  	s6 =	simm.s32 $0x0;
	s20 =	sshll.u32 s4, $0x1;
	s4 =	sadd.s32 s21, s2  }
0x9d: {  	[timem:s6], [sflag:s22] =	dma.local [hbm:s4], s20  }
0x9e: {  	_ =	swait.ge [sflag:s22], s20  }
0x9f: {  	s3 =	ssub.s32 $0x0, s20;
	[sflag:s22] =	ssyncset.done $0x0  }
0xa0: {  	[sflag:s22] =	ssyncadd.s32 s3;
	_ =	sdelay $0x1  }
0xa1: {  	s23 =	simm.s32 $0x1B8B  }
0xa2: {  	_ =	swait.ge [sflag:s23], $0x1  }
0xa3: {  	[sflag:s23] =	ssyncset.done $0x0  }
0xa4: {  	s25 =	simm.s32 $0x1B8E;
	s24 =	sld [smem:$0x3FFE];
	[sflag:s23] =	ssyncadd.s32 $0xFFFFFFFF  }
0xa5: {  	s26 =	simm.s32 $execute0_lowered;
	[smem:$0x3FD2] =	sst s25  }
0xa6: {  	s4 =	sshll.u32 s26, $0x1;
	_ =	strace $0x80000046;
	[dreg:$0x1] =	wrdreg $0xFFFFFFFF  }
0xa7: {  	s28 =	simm.s32 $_size_execute0_lowered;
	s2 =	sadd.s32 s2, s4;
	[dreg:$0x0] =	wrdreg $0x0  }
0xa8: {  	s4 =	sshll.u32 s28, $0x1;
	[dreg:$0x2] =	wrdreg s2  }
0xa9: {  	[dreg:$0x3] =	wrdreg s4  }
0xaa: {  	[dreg:$0x4] =	wrdreg $0xC0  }
0xab: {  	_ =	task [dreg:s6], $0x5FFFF  }
0xac: {  	[dreg:$0x1] =	wrdreg $0xFFFFFFFF  }
0xad: {  	[dreg:$0x0] =	wrdreg $0x60  }
0xae: {  	[dreg:$0x2] =	wrdreg s24  }
0xaf: {  	[dreg:$0x3] =	wrdreg $0x9  }
0xb0: {  	_ =	task.clear_ibuf [dreg:s6], $0x4FFFF;
	_ =	strace $0x90000046  }
0xb1: {  	s29 =	simm.s32 $0x9;
	_ =	strace $0x80000048  }
0xb2: {  	_ =	swait.ge [sflag:s29], $0x1  }
0xb3: {  	[sflag:s29] =	ssyncadd.s32 $0xFFFFFFFF  }
0xb4: {  	_ =	strace $0x90000048  }
0xb5: {  	_ =	sfence  }
0xb6: {  	s30 =	sld [smem:$0x0];
	_ =	sdelay $0x2  }
0xb7: {  	s31 =	sshll.u32 s1, $0xD;
	s1 =	sshrl.u32 s1, $0x2  }
0xb8: {  	s3 =	sand.u32 $0x4000, s31;
	s1 =	sadd.s32 s1, s30  }
0xb9: {  	s0 =	sor.u32 s3, s0;
	s1 =	sshll.u32 s1, $0x11  }
0xba: {  	s0 =	sor.u32 s1, s0  }
0xbb: {  	s0 =	sadd.s32 $0x8F2B, s0  }
0xbc: {  	[sflag:s0] =	ssyncadd.remote.s32 $0x1  }
0xbd: {  	_ =	sfence.sel $0xFFFF  }
0xbe: {  	[dreg:$0x0] =	wrdreg $0xFFFFFFFF;
	(pc) =	sbr.abs _section_cstart, $3  }
0xbf: {  	[dreg:$0x1] =	wrdreg $0xFFFFFFFF  }
0xc0: {  	_ =	task.clear_ibuf [dreg:s6], $0x2FFFF;
	_ =	strace $0x9FFFFFFF  }
0xc1: {  	(tm) =	ssettm $0x7FFFFFFF  }
tec
execute0_lowered:
.L_overlay_start_1:
0x0: {  	(tag) =	ssettag $0x1  }
0x1: {  	s0 =	rddreg [dreg:$0x0];
	s1 =	srdreg.scid  }
0x2: {  	s2 =	simm.s32 $0x0;
	s3 =	stileid.u32;
	s1 =	sand.u32 $0x1, s1  }
0x3: {  	[smem:$0x7FF] =	sst s2;
	s3 =	sshll.u32 s3, $0xB;
	s10 =	sadd.s32 $0x300800, s0  }
0x4: {  	s18 =	sadd.s32 $0x800, s0;
	s4 =	sshll.u32 s1, $0xA;
	s1 =	ssub.s32 $0x2, s1  }
0x5: {  	_ =	strace $0x80000047;
	s11 =	sor.u32 s4, s3;
	s22 =	sshrl.u32 s1, $0x1  }
0x6: {  	s3 =	sshrl.u32 s11, $0x3;
	s1 =	ssub.s32 s1, s22;
	s12 =	sor.u32 $0x10, s11  }
0x7: {  	s13 =	sor.u32 $0x20, s11;
	s14 =	sor.u32 $0x30, s11;
	s15 =	sor.u32 $0x40, s11  }
0x8: {  	s16 =	sor.u32 $0x50, s11;
	s17 =	sor.u32 $0x60, s11;
	s19 =	sor.u32 $0x70, s11  }
0x9: {  	s0 =	sadd.s32 s3, s0;
	s3 =	sadd.s32 s10, s11;
	s4 =	sadd.s32 s10, s12  }
0xa: {  	s5 =	sadd.s32 s10, s13;
	s6 =	sadd.s32 s10, s14;
	s7 =	sadd.s32 s10, s15  }
0xb: {  	s8 =	sadd.s32 s10, s16;
	s9 =	sadd.s32 s10, s17;
	s10 =	sadd.s32 s10, s19  }
0xc: {  	s11 =	sadd.s32 s18, s11;
	s12 =	sadd.s32 s18, s12;
	s13 =	sadd.s32 s18, s13  }
0xd: {  	s14 =	sadd.s32 s18, s14;
	s15 =	sadd.s32 s18, s15;
	s24 =	smax.u32 s1, $0x1  }
0xe: {  	s16 =	sadd.s32 s18, s16;
	s23 =	sadd.s32 $0x9800, s0;
	[dreg:$0x4] =	wrdreg s24  }
0xf: {  	s17 =	sadd.s32 s18, s17;
	s0 =	sadd.s32 $0x8800, s0;
	[dreg:$0x2] =	wrdreg s23  }
0x10: {  	s18 =	sadd.s32 s18, s19;
	s25 =	sadd.s32 $0x80, s3;
	[dreg:$0x3] =	wrdreg s0  }
0x11: {  	s1 =	simm.s32 $0x1;
	s26 =	sadd.s32 $0x100, s3;
	[dreg:$0x5] =	wrdreg s25  }
0x12: {  	s30 =	sadd.s32 $0x180, s3;
	s31 =	sadd.s32 $0x200, s3;
	[dreg:$0x6] =	wrdreg s26  }
0x13: {  	s28 =	sadd.s32 $0x300, s3;
	s29 =	sadd.s32 $0x380, s3;
	[dreg:$0x7] =	wrdreg s30  }
0x14: {  	[dreg:$0x8] =	wrdreg s31;
	s26 =	sadd.s32 $0x280, s3;
	s0 =	simm.s32 $0x0  }
.LBB2_1:
0x15: {  	[tilespmem:s2], [sflag:$0x1] =	stream.linear.gather [hbm4b:s3+s2], $0x80, $0x38;
	[tilespmem:$0x4800] =	vst v63  }
0x16: {  	s19 =	rddreg [dreg:$0x5];
	s20 =	simm.s32 $0x400  }
0x17: {  	[tilespmem:s20], [sflag:$0x1] =	stream.linear.gather [hbm4b:s19+s2], $0x80, $0x38;
	[tilespmem:$0x4800] =	vst v63  }
0x18: {  	s22 =	rddreg [dreg:$0x6];
	s23 =	simm.s32 $0x800  }
0x19: {  	[tilespmem:s23], [sflag:$0x1] =	stream.linear.gather [hbm4b:s22+s2], $0x80, $0x38;
	[tilespmem:$0x4800] =	vst v63  }
0x1a: {  	s24 =	rddreg [dreg:$0x7];
	s25 =	simm.s32 $0xC00  }
0x1b: {  	[tilespmem:s25], [sflag:$0x1] =	stream.linear.gather [hbm4b:s24+s2], $0x80, $0x38;
	[tilespmem:$0x4800] =	vst v63  }
0x1c: {  	s21 =	simm.s32 $0x1000;
	s20 =	rddreg [dreg:$0x8]  }
0x1d: {  	[tilespmem:s21], [sflag:$0x1] =	stream.linear.gather [hbm4b:s20+s2], $0x80, $0x38;
	[tilespmem:$0x4800] =	vst v63  }
0x1e: {  	s22 =	simm.s32 $0x1400  }
0x1f: {  	[tilespmem:s22], [sflag:$0x1] =	stream.linear.gather [hbm4b:s26+s2], $0x80, $0x38;
	[tilespmem:$0x4800] =	vst v63  }
0x20: {  	s23 =	simm.s32 $0x1800  }
0x21: {  	[tilespmem:s23], [sflag:$0x1] =	stream.linear.gather [hbm4b:s28+s2], $0x80, $0x38;
	[tilespmem:$0x4800] =	vst v63  }
0x22: {  	s24 =	simm.s32 $0x1C00  }
0x23: {  	[tilespmem:s24], [sflag:$0x1] =	stream.linear.gather [hbm4b:s29+s2], $0x80, $0x38;
	[tilespmem:$0x4800] =	vst v63  }
0x24: {  	_ =	swait.ge [sflag:s1], $0x400  }
0x25: {  	[sflag:s1] =	ssyncset.done $0x0  }
0x26: {  	s25 =	simm.s32 $0x80;
	[sflag:s1] =	ssyncadd.s32 $0xFFFFFC00  }
0x27: {  	[tilespmem:s25], [sflag:$0x1] =	stream.linear.gather [hbm4b:s4+s2], $0x80, $0x38;
	[tilespmem:$0x4800] =	vst v63  }
0x28: {  	s20 =	sadd.s32 $0x80, s4;
	s21 =	simm.s32 $0x480  }
0x29: {  	[tilespmem:s21], [sflag:$0x1] =	stream.linear.gather [hbm4b:s20+s2], $0x80, $0x38;
	[tilespmem:$0x4800] =	vst v63  }
0x2a: {  	s22 =	sadd.s32 $0x100, s4;
	s23 =	simm.s32 $0x880  }
0x2b: {  	[tilespmem:s23], [sflag:$0x1] =	stream.linear.gather [hbm4b:s22+s2], $0x80, $0x38;
	[tilespmem:$0x4800] =	vst v63  }
0x2c: {  	s24 =	sadd.s32 $0x180, s4;
	s25 =	simm.s32 $0xC80  }
0x2d: {  	[tilespmem:s25], [sflag:$0x1] =	stream.linear.gather [hbm4b:s24+s2], $0x80, $0x38;
	[tilespmem:$0x4800] =	vst v63  }
0x2e: {  	s20 =	sadd.s32 $0x200, s4;
	s21 =	simm.s32 $0x1080  }
0x2f: {  	[tilespmem:s21], [sflag:$0x1] =	stream.linear.gather [hbm4b:s20+s2], $0x80, $0x38;
	[tilespmem:$0x4800] =	vst v63  }
0x30: {  	s22 =	sadd.s32 $0x280, s4;
	s23 =	simm.s32 $0x1480  }
0x31: {  	[tilespmem:s23], [sflag:$0x1] =	stream.linear.gather [hbm4b:s22+s2], $0x80, $0x38;
	[tilespmem:$0x4800] =	vst v63  }
0x32: {  	s24 =	sadd.s32 $0x300, s4;
	s25 =	simm.s32 $0x1880  }
0x33: {  	[tilespmem:s25], [sflag:$0x1] =	stream.linear.gather [hbm4b:s24+s2], $0x80, $0x38;
	[tilespmem:$0x4800] =	vst v63  }
0x34: {  	s21 =	sadd.s32 $0x380, s4;
	s22 =	simm.s32 $0x1C80  }
0x35: {  	[tilespmem:s22], [sflag:$0x1] =	stream.linear.gather [hbm4b:s21+s2], $0x80, $0x38;
	[tilespmem:$0x4800] =	vst v63  }
0x36: {  	_ =	swait.ge [sflag:s1], $0x400  }
0x37: {  	[sflag:s1] =	ssyncset.done $0x0  }
0x38: {  	s23 =	simm.s32 $0x100;
	[sflag:s1] =	ssyncadd.s32 $0xFFFFFC00  }
0x39: {  	[tilespmem:s23], [sflag:$0x1] =	stream.linear.gather [hbm4b:s5+s2], $0x80, $0x38;
	[tilespmem:$0x4800] =	vst v63  }
0x3a: {  	s24 =	sadd.s32 $0x80, s5;
	s25 =	simm.s32 $0x500  }
0x3b: {  	[tilespmem:s25], [sflag:$0x1] =	stream.linear.gather [hbm4b:s24+s2], $0x80, $0x38;
	[tilespmem:$0x4800] =	vst v63  }
0x3c: {  	s20 =	sadd.s32 $0x100, s5;
	s21 =	simm.s32 $0x900  }
0x3d: {  	[tilespmem:s21], [sflag:$0x1] =	stream.linear.gather [hbm4b:s20+s2], $0x80, $0x38;
	[tilespmem:$0x4800] =	vst v63  }
0x3e: {  	s22 =	sadd.s32 $0x180, s5;
	s23 =	simm.s32 $0xD00  }
0x3f: {  	[tilespmem:s23], [sflag:$0x1] =	stream.linear.gather [hbm4b:s22+s2], $0x80, $0x38;
	[tilespmem:$0x4800] =	vst v63  }
0x40: {  	s24 =	sadd.s32 $0x200, s5;
	s25 =	simm.s32 $0x1100  }
0x41: {  	[tilespmem:s25], [sflag:$0x1] =	stream.linear.gather [hbm4b:s24+s2], $0x80, $0x38;
	[tilespmem:$0x4800] =	vst v63  }
0x42: {  	s20 =	sadd.s32 $0x280, s5;
	s21 =	simm.s32 $0x1500  }
0x43: {  	[tilespmem:s21], [sflag:$0x1] =	stream.linear.gather [hbm4b:s20+s2], $0x80, $0x38;
	[tilespmem:$0x4800] =	vst v63  }
0x44: {  	s22 =	sadd.s32 $0x300, s5;
	s23 =	simm.s32 $0x1900  }
0x45: {  	[tilespmem:s23], [sflag:$0x1] =	stream.linear.gather [hbm4b:s22+s2], $0x80, $0x38;
	[tilespmem:$0x4800] =	vst v63  }
0x46: {  	s24 =	sadd.s32 $0x380, s5;
	s25 =	simm.s32 $0x1D00  }
0x47: {  	[tilespmem:s25], [sflag:$0x1] =	stream.linear.gather [hbm4b:s24+s2], $0x80, $0x38;
	[tilespmem:$0x4800] =	vst v63  }
0x48: {  	_ =	swait.ge [sflag:s1], $0x400  }
0x49: {  	[sflag:s1] =	ssyncset.done $0x0  }
0x4a: {  	s21 =	simm.s32 $0x180;
	[sflag:s1] =	ssyncadd.s32 $0xFFFFFC00  }
0x4b: {  	[tilespmem:s21], [sflag:$0x1] =	stream.linear.gather [hbm4b:s6+s2], $0x80, $0x38;
	[tilespmem:$0x4800] =	vst v63  }
0x4c: {  	s22 =	sadd.s32 $0x80, s6;
	s23 =	simm.s32 $0x580  }
0x4d: {  	[tilespmem:s23], [sflag:$0x1] =	stream.linear.gather [hbm4b:s22+s2], $0x80, $0x38;
	[tilespmem:$0x4800] =	vst v63  }
0x4e: {  	s24 =	sadd.s32 $0x100, s6;
	s25 =	simm.s32 $0x980  }
0x4f: {  	[tilespmem:s25], [sflag:$0x1] =	stream.linear.gather [hbm4b:s24+s2], $0x80, $0x38;
	[tilespmem:$0x4800] =	vst v63  }
0x50: {  	s20 =	sadd.s32 $0x180, s6;
	s21 =	simm.s32 $0xD80  }
0x51: {  	[tilespmem:s21], [sflag:$0x1] =	stream.linear.gather [hbm4b:s20+s2], $0x80, $0x38;
	[tilespmem:$0x4800] =	vst v63  }
0x52: {  	s22 =	sadd.s32 $0x200, s6;
	s23 =	simm.s32 $0x1180  }
0x53: {  	[tilespmem:s23], [sflag:$0x1] =	stream.linear.gather [hbm4b:s22+s2], $0x80, $0x38;
	[tilespmem:$0x4800] =	vst v63  }
0x54: {  	s24 =	sadd.s32 $0x280, s6;
	s25 =	simm.s32 $0x1580  }
0x55: {  	[tilespmem:s25], [sflag:$0x1] =	stream.linear.gather [hbm4b:s24+s2], $0x80, $0x38;
	[tilespmem:$0x4800] =	vst v63  }
0x56: {  	s21 =	sadd.s32 $0x300, s6;
	s22 =	simm.s32 $0x1980  }
0x57: {  	[tilespmem:s22], [sflag:$0x1] =	stream.linear.gather [hbm4b:s21+s2], $0x80, $0x38;
	[tilespmem:$0x4800] =	vst v63  }
0x58: {  	s23 =	sadd.s32 $0x380, s6;
	s24 =	simm.s32 $0x1D80  }
0x59: {  	[tilespmem:s24], [sflag:$0x1] =	stream.linear.gather [hbm4b:s23+s2], $0x80, $0x38;
	[tilespmem:$0x4800] =	vst v63  }
0x5a: {  	_ =	swait.ge [sflag:s1], $0x400  }
0x5b: {  	[sflag:s1] =	ssyncset.done $0x0  }
0x5c: {  	s25 =	simm.s32 $0x200;
	[sflag:s1] =	ssyncadd.s32 $0xFFFFFC00  }
0x5d: {  	[tilespmem:s25], [sflag:$0x1] =	stream.linear.gather [hbm4b:s7+s2], $0x80, $0x38;
	[tilespmem:$0x4800] =	vst v63  }
0x5e: {  	s20 =	sadd.s32 $0x80, s7;
	s21 =	simm.s32 $0x600  }
0x5f: {  	[tilespmem:s21], [sflag:$0x1] =	stream.linear.gather [hbm4b:s20+s2], $0x80, $0x38;
	[tilespmem:$0x4800] =	vst v63  }
0x60: {  	s22 =	sadd.s32 $0x100, s7;
	s23 =	simm.s32 $0xA00  }
0x61: {  	[tilespmem:s23], [sflag:$0x1] =	stream.linear.gather [hbm4b:s22+s2], $0x80, $0x38;
	[tilespmem:$0x4800] =	vst v63  }
0x62: {  	s24 =	sadd.s32 $0x180, s7;
	s25 =	simm.s32 $0xE00  }
0x63: {  	[tilespmem:s25], [sflag:$0x1] =	stream.linear.gather [hbm4b:s24+s2], $0x80, $0x38;
	[tilespmem:$0x4800] =	vst v63  }
0x64: {  	s20 =	sadd.s32 $0x200, s7;
	s21 =	simm.s32 $0x1200  }
0x65: {  	[tilespmem:s21], [sflag:$0x1] =	stream.linear.gather [hbm4b:s20+s2], $0x80, $0x38;
	[tilespmem:$0x4800] =	vst v63  }
0x66: {  	s22 =	sadd.s32 $0x280, s7;
	s23 =	simm.s32 $0x1600  }
0x67: {  	[tilespmem:s23], [sflag:$0x1] =	stream.linear.gather [hbm4b:s22+s2], $0x80, $0x38;
	[tilespmem:$0x4800] =	vst v63  }
0x68: {  	s24 =	sadd.s32 $0x300, s7;
	s25 =	simm.s32 $0x1A00  }
0x69: {  	[tilespmem:s25], [sflag:$0x1] =	stream.linear.gather [hbm4b:s24+s2], $0x80, $0x38;
	[tilespmem:$0x4800] =	vst v63  }
0x6a: {  	s21 =	sadd.s32 $0x380, s7;
	s22 =	simm.s32 $0x1E00  }
0x6b: {  	[tilespmem:s22], [sflag:$0x1] =	stream.linear.gather [hbm4b:s21+s2], $0x80, $0x38;
	[tilespmem:$0x4800] =	vst v63  }
0x6c: {  	_ =	swait.ge [sflag:s1], $0x400  }
0x6d: {  	[sflag:s1] =	ssyncset.done $0x0  }
0x6e: {  	s23 =	simm.s32 $0x280;
	[sflag:s1] =	ssyncadd.s32 $0xFFFFFC00  }
0x6f: {  	[tilespmem:s23], [sflag:$0x1] =	stream.linear.gather [hbm4b:s8+s2], $0x80, $0x38;
	[tilespmem:$0x4800] =	vst v63  }
0x70: {  	s24 =	sadd.s32 $0x80, s8;
	s25 =	simm.s32 $0x680  }
0x71: {  	[tilespmem:s25], [sflag:$0x1] =	stream.linear.gather [hbm4b:s24+s2], $0x80, $0x38;
	[tilespmem:$0x4800] =	vst v63  }
0x72: {  	s20 =	sadd.s32 $0x100, s8;
	s21 =	simm.s32 $0xA80  }
0x73: {  	[tilespmem:s21], [sflag:$0x1] =	stream.linear.gather [hbm4b:s20+s2], $0x80, $0x38;
	[tilespmem:$0x4800] =	vst v63  }
0x74: {  	s22 =	sadd.s32 $0x180, s8;
	s23 =	simm.s32 $0xE80  }
0x75: {  	[tilespmem:s23], [sflag:$0x1] =	stream.linear.gather [hbm4b:s22+s2], $0x80, $0x38;
	[tilespmem:$0x4800] =	vst v63  }
0x76: {  	s24 =	sadd.s32 $0x200, s8;
	s25 =	simm.s32 $0x1280  }
0x77: {  	[tilespmem:s25], [sflag:$0x1] =	stream.linear.gather [hbm4b:s24+s2], $0x80, $0x38;
	[tilespmem:$0x4800] =	vst v63  }
0x78: {  	s20 =	sadd.s32 $0x280, s8;
	s21 =	simm.s32 $0x1680  }
0x79: {  	[tilespmem:s21], [sflag:$0x1] =	stream.linear.gather [hbm4b:s20+s2], $0x80, $0x38;
	[tilespmem:$0x4800] =	vst v63  }
0x7a: {  	s22 =	sadd.s32 $0x300, s8;
	s23 =	simm.s32 $0x1A80  }
0x7b: {  	[tilespmem:s23], [sflag:$0x1] =	stream.linear.gather [hbm4b:s22+s2], $0x80, $0x38;
	[tilespmem:$0x4800] =	vst v63  }
0x7c: {  	s24 =	sadd.s32 $0x380, s8;
	s25 =	simm.s32 $0x1E80  }
0x7d: {  	[tilespmem:s25], [sflag:$0x1] =	stream.linear.gather [hbm4b:s24+s2], $0x80, $0x38;
	[tilespmem:$0x4800] =	vst v63  }
0x7e: {  	_ =	swait.ge [sflag:s1], $0x400  }
0x7f: {  	[sflag:s1] =	ssyncset.done $0x0  }
0x80: {  	s21 =	simm.s32 $0x300;
	[sflag:s1] =	ssyncadd.s32 $0xFFFFFC00  }
0x81: {  	[tilespmem:s21], [sflag:$0x1] =	stream.linear.gather [hbm4b:s9+s2], $0x80, $0x38;
	[tilespmem:$0x4800] =	vst v63  }
0x82: {  	s22 =	sadd.s32 $0x80, s9;
	s23 =	simm.s32 $0x700  }
0x83: {  	[tilespmem:s23], [sflag:$0x1] =	stream.linear.gather [hbm4b:s22+s2], $0x80, $0x38;
	[tilespmem:$0x4800] =	vst v63  }
0x84: {  	s24 =	sadd.s32 $0x100, s9;
	s25 =	simm.s32 $0xB00  }
0x85: {  	[tilespmem:s25], [sflag:$0x1] =	stream.linear.gather [hbm4b:s24+s2], $0x80, $0x38;
	[tilespmem:$0x4800] =	vst v63  }
0x86: {  	s20 =	sadd.s32 $0x180, s9;
	s21 =	simm.s32 $0xF00  }
0x87: {  	[tilespmem:s21], [sflag:$0x1] =	stream.linear.gather [hbm4b:s20+s2], $0x80, $0x38;
	[tilespmem:$0x4800] =	vst v63  }
0x88: {  	s22 =	sadd.s32 $0x200, s9;
	s23 =	simm.s32 $0x1300  }
0x89: {  	[tilespmem:s23], [sflag:$0x1] =	stream.linear.gather [hbm4b:s22+s2], $0x80, $0x38;
	[tilespmem:$0x4800] =	vst v63  }
0x8a: {  	s24 =	sadd.s32 $0x280, s9;
	s25 =	simm.s32 $0x1700  }
0x8b: {  	[tilespmem:s25], [sflag:$0x1] =	stream.linear.gather [hbm4b:s24+s2], $0x80, $0x38;
	[tilespmem:$0x4800] =	vst v63  }
0x8c: {  	s21 =	sadd.s32 $0x300, s9;
	s22 =	simm.s32 $0x1B00  }
0x8d: {  	[tilespmem:s22], [sflag:$0x1] =	stream.linear.gather [hbm4b:s21+s2], $0x80, $0x38;
	[tilespmem:$0x4800] =	vst v63  }
0x8e: {  	s23 =	sadd.s32 $0x380, s9;
	s24 =	simm.s32 $0x1F00  }
0x8f: {  	[tilespmem:s24], [sflag:$0x1] =	stream.linear.gather [hbm4b:s23+s2], $0x80, $0x38;
	[tilespmem:$0x4800] =	vst v63  }
0x90: {  	_ =	swait.ge [sflag:s1], $0x400  }
0x91: {  	[sflag:s1] =	ssyncset.done $0x0  }
0x92: {  	s25 =	simm.s32 $0x380;
	[sflag:s1] =	ssyncadd.s32 $0xFFFFFC00  }
0x93: {  	[tilespmem:s25], [sflag:$0x1] =	stream.linear.gather [hbm4b:s10+s2], $0x80, $0x38;
	[tilespmem:$0x4800] =	vst v63  }
0x94: {  	s20 =	sadd.s32 $0x80, s10;
	s21 =	simm.s32 $0x780  }
0x95: {  	[tilespmem:s21], [sflag:$0x1] =	stream.linear.gather [hbm4b:s20+s2], $0x80, $0x38;
	[tilespmem:$0x4800] =	vst v63  }
0x96: {  	s22 =	sadd.s32 $0x100, s10;
	s23 =	simm.s32 $0xB80  }
0x97: {  	[tilespmem:s23], [sflag:$0x1] =	stream.linear.gather [hbm4b:s22+s2], $0x80, $0x38;
	[tilespmem:$0x4800] =	vst v63  }
0x98: {  	s24 =	sadd.s32 $0x180, s10;
	s25 =	simm.s32 $0xF80  }
0x99: {  	[tilespmem:s25], [sflag:$0x1] =	stream.linear.gather [hbm4b:s24+s2], $0x80, $0x38;
	[tilespmem:$0x4800] =	vst v63  }
0x9a: {  	s20 =	sadd.s32 $0x200, s10;
	s21 =	simm.s32 $0x1380  }
0x9b: {  	[tilespmem:s21], [sflag:$0x1] =	stream.linear.gather [hbm4b:s20+s2], $0x80, $0x38;
	[tilespmem:$0x4800] =	vst v63  }
0x9c: {  	s22 =	sadd.s32 $0x280, s10;
	s23 =	simm.s32 $0x1780  }
0x9d: {  	[tilespmem:s23], [sflag:$0x1] =	stream.linear.gather [hbm4b:s22+s2], $0x80, $0x38;
	[tilespmem:$0x4800] =	vst v63  }
0x9e: {  	s24 =	sadd.s32 $0x300, s10;
	s25 =	simm.s32 $0x1B80  }
0x9f: {  	[tilespmem:s25], [sflag:$0x1] =	stream.linear.gather [hbm4b:s24+s2], $0x80, $0x38;
	[tilespmem:$0x4800] =	vst v63  }
0xa0: {  	s21 =	sadd.s32 $0x380, s10;
	s22 =	simm.s32 $0x1F80  }
0xa1: {  	[tilespmem:s22], [sflag:$0x1] =	stream.linear.gather [hbm4b:s21+s2], $0x80, $0x38;
	[tilespmem:$0x4800] =	vst v63  }
0xa2: {  	_ =	swait.ge [sflag:s1], $0x400  }
0xa3: {  	s23 =	sand.u32 $0x70, s2;
	s24 =	sand.u32 $0x1C00, s2;
	[sflag:s1] =	ssyncset.done $0x0  }
0xa4: {  	s19 =	sor.u32 s23, s24;
	[sflag:s1] =	ssyncadd.s32 $0xFFFFFC00  }
0xa5: {  	v2 =	vld [tilespmem:s19+$0x0]  }
0xa6: {  	v3 =	vld [tilespmem:s19+$0x80]  }
0xa7: {  	v4 =	vld [tilespmem:s19+$0x100]  }
0xa8: {  	v5 =	vld [tilespmem:s19+$0x180]  }
0xa9: {  	v6 =	vld [tilespmem:s19+$0x200]  }
0xaa: {  	s25 =	sor.u32 s2, s2;
	v7 =	vld [tilespmem:s19+$0x280]  }
0xab: {  	s20 =	sor.u32 $0x380, s25;
	v8 =	vld [tilespmem:s19+$0x300];
	v0 =	vmax.f32 v2, v3  }
0xac: {  	v9 =	vld [tilespmem:s20+$0x0];
	v0 =	vmax.f32 v0, v4  }
0xad: {  	v0 =	vmax.f32 v0, v5  }
0xae: {  	v0 =	vmax.f32 v0, v6  }
0xaf: {  	v0 =	vmax.f32 v0, v7  }
0xb0: {  	v0 =	vmax.f32 v0, v8  }
0xb1: {  	v0 =	vmax.f32 v0, v9  }
0xb2: {  	v1 =	vsub.f32 v2, v0  }
0xb3: {  	v10 =	vsub.f32 v3, v0  }
0xb4: {  	v1 =	vmul.f32 $1.442695020e+00, v1  }
0xb5: {  	v11 =	vsub.f32 v4, v0;
	v10 =	vmul.f32 $1.442695020e+00, v10  }
0xb6: {  	(erf) = vpow2.f32 v1  }
0xb7: {  	v11 =	vmul.f32 $1.442695020e+00, v11;
	v1 =	vsub.f32 v5, v0;
	(erf) = vpow2.f32 v10;
	_ =	sdelay $0x1  }
0xb8: {  	v55 =	vsub.f32 v6, v0;
	v1 =	vmul.f32 $1.442695020e+00, v1;
	(erf) = vpow2.f32 v11;
	_ =	sdelay $0x1  }
0xb9: {  	v56 =	vsub.f32 v7, v0;
	v10 =	vmul.f32 $1.442695020e+00, v55;
	(erf) = vpow2.f32 v1;
	_ =	sdelay $0x1  }
0xba: {  	v11 =	vmul.f32 $1.442695020e+00, v56;
	v1 =	vsub.f32 v8, v0;
	(erf) = vpow2.f32 v10;
	_ =	sdelay $0x1  }
0xbb: {  	v57 =	vsub.f32 v9, v0;
	v1 =	vmul.f32 $1.442695020e+00, v1;
	(erf) = vpow2.f32 v11;
	v58 =	vpop (erf)  }
0xbc: {  	v12 =	vpop (erf)  }
0xbd: {  	v10 =	vmul.f32 $1.442695020e+00, v57;
	(erf) = vpow2.f32 v1;
	v1 =	vadd.f32 v12, v58  }
0xbe: {  	v13 =	vpop (erf)  }
0xbf: {  	(erf) = vpow2.f32 v10;
	v1 =	vadd.f32 v1, v13  }
0xc0: {  	v59 =	vpop (erf)  }
0xc1: {  	v1 =	vadd.f32 v1, v59  }
0xc2: {  	v14 =	vpop (erf)  }
0xc3: {  	v1 =	vadd.f32 v1, v14  }
0xc4: {  	v15 =	vpop (erf)  }
0xc5: {  	v1 =	vadd.f32 v1, v15  }
0xc6: {  	v16 =	vpop (erf)  }
0xc7: {  	v1 =	vadd.f32 v1, v16  }
0xc8: {  	v17 =	vpop (erf)  }
0xc9: {  	v1 =	vadd.f32 v1, v17;
	_ =	sdelay $0x1  }
0xca: {  	(erf) = vrcp.f32 v1;
	_ =	sdelay $0x8  }
0xcb: {  	v18 =	vpop (erf)  }
0xcc: {  	v11 =	vmul.f32 v18, v58;
	_ =	sdelay $0x1  }
0xcd: {  	v12 =	vmul.f32 v18, v12;
	v2 =	vmul.f32 v11, v2;
	_ =	sdelay $0x1  }
0xce: {  	v13 =	vmul.f32 v18, v13;
	v3 =	vmul.f32 v12, v3;
	v2 =	vadd.f32 $0.0e+00, v2;
	_ =	sdelay $0x1  }
0xcf: {  	v10 =	vmul.f32 v18, v59;
	v4 =	vmul.f32 v13, v4;
	v2 =	vadd.f32 v2, v3;
	_ =	sdelay $0x1  }
0xd0: {  	v60 =	vmul.f32 v18, v14;
	v3 =	vmul.f32 v10, v5;
	v2 =	vadd.f32 v2, v4;
	_ =	sdelay $0x1  }
0xd1: {  	v61 =	vmul.f32 v18, v15;
	v6 =	vmul.f32 v60, v6;
	v2 =	vadd.f32 v2, v3  }
0xd2: {  	[tilespmem:s19+$0x2080] =	vst v12  }
0xd3: {  	[tilespmem:s19+$0x2000] =	vst v11;
	v7 =	vmul.f32 v61, v7;
	v3 =	vmul.f32 v18, v16;
	v2 =	vadd.f32 v2, v6  }
0xd4: {  	[tilespmem:s19+$0x2180] =	vst v10  }
0xd5: {  	v62 =	vmul.f32 v18, v17;
	[tilespmem:s19+$0x2100] =	vst v13;
	v8 =	vmul.f32 v3, v8;
	v2 =	vadd.f32 v2, v7  }
0xd6: {  	[tilespmem:s19+$0x2280] =	vst v61  }
0xd7: {  	[tilespmem:s19+$0x2200] =	vst v60;
	v63 =	vmul.f32 v62, v9;
	v2 =	vadd.f32 v2, v8  }
0xd8: {  	s30 =	simm.s32 $0x10;
	s31 =	simm.s32 $0x0;
	s22 =	simm.s32 $0x4400;
	[tilespmem:s19+$0x2300] =	vst v3  }
0xd9: {  	s21 =	simm.s32 $0x4400;
	s19 =	simm.s32 $0x4000;
	[tilespmem:s20+$0x2000] =	vst v62;
	s20 =	simm.s32 $0x4000;
	v2 =	vadd.f32 v2, v63  }
.LBB2_2:
0xda: {  	s31 =	sadd.s32 $0x80, s31  }
0xdb: {  	s19 =	sadd.s32 $0x10, s19;
	s22 =	sadd.s32 $0x10, s22;
	s24 =	smov.u32 s30;
	v0 =	vsub.f32 v0, v2  }
0xdc: {  	s23 =	sand.u32 $0x70, s30;
	p0 =	sne.s32 s30, $0x3F0;
	s25 =	sand.u32 $0x1C00, s31  }
0xdd: {  	s30 =	sadd.s32 $0x10, s30;
	s23 =	sor.u32 s23, s25;
	[tilespmem:s20+$0x0] =	vst v0;
	s20 =	smov.u32 s19  }
0xde: {  	[tilespmem:s21+$0x0] =	vst v1;
	s21 =	smov.u32 s22  }
0xdf: {  	v2 =	vld [tilespmem:s23+$0x0]  }
0xe0: {  	v3 =	vld [tilespmem:s23+$0x80]  }
0xe1: {  	v4 =	vld [tilespmem:s23+$0x100]  }
0xe2: {  	v5 =	vld [tilespmem:s23+$0x180]  }
0xe3: {  	v6 =	vld [tilespmem:s23+$0x200]  }
0xe4: {  	s24 =	sor.u32 s31, s24;
	v7 =	vld [tilespmem:s23+$0x280]  }
0xe5: {  	s24 =	sor.u32 $0x380, s24;
	v8 =	vld [tilespmem:s23+$0x300];
	v0 =	vmax.f32 v2, v3  }
0xe6: {  	v9 =	vld [tilespmem:s24+$0x0];
	v0 =	vmax.f32 v0, v4  }
0xe7: {  	v0 =	vmax.f32 v0, v5  }
0xe8: {  	v0 =	vmax.f32 v0, v6  }
0xe9: {  	v0 =	vmax.f32 v0, v7  }
0xea: {  	v0 =	vmax.f32 v0, v8  }
0xeb: {  	v0 =	vmax.f32 v0, v9  }
0xec: {  	v1 =	vsub.f32 v2, v0;
	v10 =	vsub.f32 v3, v0  }
0xed: {  	v11 =	vsub.f32 v4, v0;
	v12 =	vsub.f32 v5, v0  }
0xee: {  	v13 =	vsub.f32 v6, v0;
	v1 =	vmul.f32 $1.442695020e+00, v1;
	v10 =	vmul.f32 $1.442695020e+00, v10  }
0xef: {  	v14 =	vsub.f32 v7, v0;
	v11 =	vmul.f32 $1.442695020e+00, v11;
	v12 =	vmul.f32 $1.442695020e+00, v12  }
0xf0: {  	v15 =	vsub.f32 v8, v0;
	v13 =	vmul.f32 $1.442695020e+00, v13;
	(erf) = vpow2.f32 v1  }
0xf1: {  	v1 =	vmul.f32 $1.442695020e+00, v14;
	v14 =	vsub.f32 v9, v0;
	(erf) = vpow2.f32 v10  }
0xf2: {  	v10 =	vmul.f32 $1.442695020e+00, v15;
	(erf) = vpow2.f32 v11  }
0xf3: {  	v11 =	vmul.f32 $1.442695020e+00, v14  }
0xf4: {  	(erf) = vpow2.f32 v12;
	_ =	sdelay $0x1  }
0xf5: {  	(erf) = vpow2.f32 v13;
	_ =	sdelay $0x1  }
0xf6: {  	(erf) = vpow2.f32 v1  }
0xf7: {  	v12 =	vpop (erf)  }
0xf8: {  	v13 =	vpop (erf);
	(erf) = vpow2.f32 v10  }
0xf9: {  	v1 =	vadd.f32 v13, v12;
	v10 =	vpop (erf)  }
0xfa: {  	(erf) = vpow2.f32 v11  }
0xfb: {  	v1 =	vadd.f32 v1, v10;
	v11 =	vpop (erf);
	_ =	sdelay $0x1  }
0xfc: {  	v1 =	vadd.f32 v1, v11;
	v14 =	vpop (erf);
	_ =	sdelay $0x1  }
0xfd: {  	v1 =	vadd.f32 v1, v14;
	v15 =	vpop (erf);
	_ =	sdelay $0x1  }
0xfe: {  	v1 =	vadd.f32 v1, v15;
	v16 =	vpop (erf);
	_ =	sdelay $0x1  }
0xff: {  	v1 =	vadd.f32 v1, v16;
	v17 =	vpop (erf);
	_ =	sdelay $0x1  }
0x100: {  	v1 =	vadd.f32 v1, v17;
	_ =	sdelay $0x1  }
0x101: {  	(erf) = vrcp.f32 v1;
	_ =	sdelay $0x8  }
0x102: {  	v18 =	vpop (erf)  }
0x103: {  	v12 =	vmul.f32 v18, v12;
	v13 =	vmul.f32 v18, v13  }
0x104: {  	v10 =	vmul.f32 v18, v10;
	v11 =	vmul.f32 v18, v11  }
0x105: {  	v2 =	vmul.f32 v12, v2;
	[tilespmem:s23+$0x2080] =	vst v13;
	v3 =	vmul.f32 v13, v3  }
0x106: {  	v4 =	vmul.f32 v10, v4;
	v5 =	vmul.f32 v11, v5;
	[tilespmem:s23+$0x2000] =	vst v12  }
0x107: {  	v12 =	vmul.f32 v18, v15;
	v2 =	vadd.f32 $0.0e+00, v2;
	[tilespmem:s23+$0x2180] =	vst v11;
	v11 =	vmul.f32 v18, v14  }
0x108: {  	v13 =	vmul.f32 v18, v17;
	[tilespmem:s23+$0x2100] =	vst v10;
	v10 =	vmul.f32 v18, v16  }
0x109: {  	v2 =	vadd.f32 v2, v3;
	v3 =	vmul.f32 v11, v6;
	[tilespmem:s23+$0x2280] =	vst v12;
	v6 =	vmul.f32 v12, v7  }
0x10a: {  	[tilespmem:s23+$0x2200] =	vst v11;
	v7 =	vmul.f32 v10, v8;
	v8 =	vmul.f32 v13, v9  }
0x10b: {  	v2 =	vadd.f32 v2, v4;
	[tilespmem:s23+$0x2300] =	vst v10  }
0x10c: {  	[tilespmem:s24+$0x2000] =	vst v13  }
0x10d: {  	v2 =	vadd.f32 v2, v5;
	_ =	sdelay $0x1  }
0x10e: {  	v2 =	vadd.f32 v2, v3;
	_ =	sdelay $0x1  }
.Ltmp0:
0x10f: {  	v2 =	vadd.f32 v2, v6;
	(pc) =	sbr.rel @p0 .LBB2_2-.Ltmp0, $3  }
0x110: {  	_ = 	snop  }
0x111: {  	v2 =	vadd.f32 v2, v7;
	_ =	sdelay $0x1  }
0x112: {  	v2 =	vadd.f32 v2, v8  }
0x113: {  	_ = 	snop  }
0x114: {  	v0 =	vsub.f32 v0, v2;
	_ =	sdelay $0x1  }
0x115: {  	[tilespmem:s20+$0x0] =	vst v0  }
0x116: {  	s19 =	simm.s32 $0x2000;
	[tilespmem:s21+$0x0] =	vst v1  }
0x117: {  	[hbm4b:s11+s2] =	stream.linear.scatter [tilespmem:s19], [sflag:$0x1], $0x80, $0x38;
	[tilespmem:$0x4800] =	vst v63  }
0x118: {  	s24 =	sadd.s32 $0x80, s11;
	s25 =	simm.s32 $0x2400  }
0x119: {  	[hbm4b:s24+s2] =	stream.linear.scatter [tilespmem:s25], [sflag:$0x1], $0x80, $0x38;
	[tilespmem:$0x4800] =	vst v63  }
0x11a: {  	s30 =	sadd.s32 $0x100, s11;
	s31 =	simm.s32 $0x2800  }
0x11b: {  	[hbm4b:s30+s2] =	stream.linear.scatter [tilespmem:s31], [sflag:$0x1], $0x80, $0x38;
	[tilespmem:$0x4800] =	vst v63  }
0x11c: {  	s20 =	sadd.s32 $0x180, s11;
	s21 =	simm.s32 $0x2C00  }
0x11d: {  	[hbm4b:s20+s2] =	stream.linear.scatter [tilespmem:s21], [sflag:$0x1], $0x80, $0x38;
	[tilespmem:$0x4800] =	vst v63  }
0x11e: {  	s22 =	sadd.s32 $0x200, s11;
	s23 =	simm.s32 $0x3000  }
0x11f: {  	[hbm4b:s22+s2] =	stream.linear.scatter [tilespmem:s23], [sflag:$0x1], $0x80, $0x38;
	[tilespmem:$0x4800] =	vst v63  }
0x120: {  	s24 =	sadd.s32 $0x280, s11;
	s25 =	simm.s32 $0x3400  }
0x121: {  	[hbm4b:s24+s2] =	stream.linear.scatter [tilespmem:s25], [sflag:$0x1], $0x80, $0x38;
	[tilespmem:$0x4800] =	vst v63  }
0x122: {  	s30 =	sadd.s32 $0x300, s11;
	s31 =	simm.s32 $0x3800  }
0x123: {  	[hbm4b:s30+s2] =	stream.linear.scatter [tilespmem:s31], [sflag:$0x1], $0x80, $0x38;
	[tilespmem:$0x4800] =	vst v63  }
0x124: {  	s21 =	sadd.s32 $0x380, s11;
	s22 =	simm.s32 $0x3C00  }
0x125: {  	[hbm4b:s21+s2] =	stream.linear.scatter [tilespmem:s22], [sflag:$0x1], $0x80, $0x38;
	[tilespmem:$0x4800] =	vst v63  }
0x126: {  	_ =	swait.ge [sflag:s1], $0x400  }
0x127: {  	[sflag:s1] =	ssyncset.done $0x0  }
0x128: {  	s23 =	simm.s32 $0x2080;
	[sflag:s1] =	ssyncadd.s32 $0xFFFFFC00  }
0x129: {  	[hbm4b:s12+s2] =	stream.linear.scatter [tilespmem:s23], [sflag:$0x1], $0x80, $0x38;
	[tilespmem:$0x4800] =	vst v63  }
0x12a: {  	s24 =	sadd.s32 $0x80, s12;
	s25 =	simm.s32 $0x2480  }
0x12b: {  	[hbm4b:s24+s2] =	stream.linear.scatter [tilespmem:s25], [sflag:$0x1], $0x80, $0x38;
	[tilespmem:$0x4800] =	vst v63  }
0x12c: {  	s30 =	sadd.s32 $0x100, s12;
	s31 =	simm.s32 $0x2880  }
0x12d: {  	[hbm4b:s30+s2] =	stream.linear.scatter [tilespmem:s31], [sflag:$0x1], $0x80, $0x38;
	[tilespmem:$0x4800] =	vst v63  }
0x12e: {  	s20 =	sadd.s32 $0x180, s12;
	s21 =	simm.s32 $0x2C80  }
0x12f: {  	[hbm4b:s20+s2] =	stream.linear.scatter [tilespmem:s21], [sflag:$0x1], $0x80, $0x38;
	[tilespmem:$0x4800] =	vst v63  }
0x130: {  	s22 =	sadd.s32 $0x200, s12;
	s23 =	simm.s32 $0x3080  }
0x131: {  	[hbm4b:s22+s2] =	stream.linear.scatter [tilespmem:s23], [sflag:$0x1], $0x80, $0x38;
	[tilespmem:$0x4800] =	vst v63  }
0x132: {  	s24 =	sadd.s32 $0x280, s12;
	s25 =	simm.s32 $0x3480  }
0x133: {  	[hbm4b:s24+s2] =	stream.linear.scatter [tilespmem:s25], [sflag:$0x1], $0x80, $0x38;
	[tilespmem:$0x4800] =	vst v63  }
0x134: {  	s30 =	sadd.s32 $0x300, s12;
	s31 =	simm.s32 $0x3880  }
0x135: {  	[hbm4b:s30+s2] =	stream.linear.scatter [tilespmem:s31], [sflag:$0x1], $0x80, $0x38;
	[tilespmem:$0x4800] =	vst v63  }
0x136: {  	s21 =	sadd.s32 $0x380, s12;
	s22 =	simm.s32 $0x3C80  }
0x137: {  	[hbm4b:s21+s2] =	stream.linear.scatter [tilespmem:s22], [sflag:$0x1], $0x80, $0x38;
	[tilespmem:$0x4800] =	vst v63  }
0x138: {  	_ =	swait.ge [sflag:s1], $0x400  }
0x139: {  	[sflag:s1] =	ssyncset.done $0x0  }
0x13a: {  	s23 =	simm.s32 $0x2100;
	[sflag:s1] =	ssyncadd.s32 $0xFFFFFC00  }
0x13b: {  	[hbm4b:s13+s2] =	stream.linear.scatter [tilespmem:s23], [sflag:$0x1], $0x80, $0x38;
	[tilespmem:$0x4800] =	vst v63  }
0x13c: {  	s24 =	sadd.s32 $0x80, s13;
	s25 =	simm.s32 $0x2500  }
0x13d: {  	[hbm4b:s24+s2] =	stream.linear.scatter [tilespmem:s25], [sflag:$0x1], $0x80, $0x38;
	[tilespmem:$0x4800] =	vst v63  }
0x13e: {  	s30 =	sadd.s32 $0x100, s13;
	s31 =	simm.s32 $0x2900  }
0x13f: {  	[hbm4b:s30+s2] =	stream.linear.scatter [tilespmem:s31], [sflag:$0x1], $0x80, $0x38;
	[tilespmem:$0x4800] =	vst v63  }
0x140: {  	s20 =	sadd.s32 $0x180, s13;
	s21 =	simm.s32 $0x2D00  }
0x141: {  	[hbm4b:s20+s2] =	stream.linear.scatter [tilespmem:s21], [sflag:$0x1], $0x80, $0x38;
	[tilespmem:$0x4800] =	vst v63  }
0x142: {  	s22 =	sadd.s32 $0x200, s13;
	s23 =	simm.s32 $0x3100  }
0x143: {  	[hbm4b:s22+s2] =	stream.linear.scatter [tilespmem:s23], [sflag:$0x1], $0x80, $0x38;
	[tilespmem:$0x4800] =	vst v63  }
0x144: {  	s24 =	sadd.s32 $0x280, s13;
	s25 =	simm.s32 $0x3500  }
0x145: {  	[hbm4b:s24+s2] =	stream.linear.scatter [tilespmem:s25], [sflag:$0x1], $0x80, $0x38;
	[tilespmem:$0x4800] =	vst v63  }
0x146: {  	s30 =	sadd.s32 $0x300, s13;
	s31 =	simm.s32 $0x3900  }
0x147: {  	[hbm4b:s30+s2] =	stream.linear.scatter [tilespmem:s31], [sflag:$0x1], $0x80, $0x38;
	[tilespmem:$0x4800] =	vst v63  }
0x148: {  	s21 =	sadd.s32 $0x380, s13;
	s22 =	simm.s32 $0x3D00  }
0x149: {  	[hbm4b:s21+s2] =	stream.linear.scatter [tilespmem:s22], [sflag:$0x1], $0x80, $0x38;
	[tilespmem:$0x4800] =	vst v63  }
0x14a: {  	_ =	swait.ge [sflag:s1], $0x400  }
0x14b: {  	[sflag:s1] =	ssyncset.done $0x0  }
0x14c: {  	s23 =	simm.s32 $0x2180;
	[sflag:s1] =	ssyncadd.s32 $0xFFFFFC00  }
0x14d: {  	[hbm4b:s14+s2] =	stream.linear.scatter [tilespmem:s23], [sflag:$0x1], $0x80, $0x38;
	[tilespmem:$0x4800] =	vst v63  }
0x14e: {  	s24 =	sadd.s32 $0x80, s14;
	s25 =	simm.s32 $0x2580  }
0x14f: {  	[hbm4b:s24+s2] =	stream.linear.scatter [tilespmem:s25], [sflag:$0x1], $0x80, $0x38;
	[tilespmem:$0x4800] =	vst v63  }
0x150: {  	s30 =	sadd.s32 $0x100, s14;
	s31 =	simm.s32 $0x2980  }
0x151: {  	[hbm4b:s30+s2] =	stream.linear.scatter [tilespmem:s31], [sflag:$0x1], $0x80, $0x38;
	[tilespmem:$0x4800] =	vst v63  }
0x152: {  	s20 =	sadd.s32 $0x180, s14;
	s21 =	simm.s32 $0x2D80  }
0x153: {  	[hbm4b:s20+s2] =	stream.linear.scatter [tilespmem:s21], [sflag:$0x1], $0x80, $0x38;
	[tilespmem:$0x4800] =	vst v63  }
0x154: {  	s22 =	sadd.s32 $0x200, s14;
	s23 =	simm.s32 $0x3180  }
0x155: {  	[hbm4b:s22+s2] =	stream.linear.scatter [tilespmem:s23], [sflag:$0x1], $0x80, $0x38;
	[tilespmem:$0x4800] =	vst v63  }
0x156: {  	s24 =	sadd.s32 $0x280, s14;
	s25 =	simm.s32 $0x3580  }
0x157: {  	[hbm4b:s24+s2] =	stream.linear.scatter [tilespmem:s25], [sflag:$0x1], $0x80, $0x38;
	[tilespmem:$0x4800] =	vst v63  }
0x158: {  	s30 =	sadd.s32 $0x300, s14;
	s31 =	simm.s32 $0x3980  }
0x159: {  	[hbm4b:s30+s2] =	stream.linear.scatter [tilespmem:s31], [sflag:$0x1], $0x80, $0x38;
	[tilespmem:$0x4800] =	vst v63  }
0x15a: {  	s21 =	sadd.s32 $0x380, s14;
	s22 =	simm.s32 $0x3D80  }
0x15b: {  	[hbm4b:s21+s2] =	stream.linear.scatter [tilespmem:s22], [sflag:$0x1], $0x80, $0x38;
	[tilespmem:$0x4800] =	vst v63  }
0x15c: {  	_ =	swait.ge [sflag:s1], $0x400  }
0x15d: {  	[sflag:s1] =	ssyncset.done $0x0  }
0x15e: {  	s23 =	simm.s32 $0x2200;
	[sflag:s1] =	ssyncadd.s32 $0xFFFFFC00  }
0x15f: {  	[hbm4b:s15+s2] =	stream.linear.scatter [tilespmem:s23], [sflag:$0x1], $0x80, $0x38;
	[tilespmem:$0x4800] =	vst v63  }
0x160: {  	s24 =	sadd.s32 $0x80, s15;
	s25 =	simm.s32 $0x2600  }
0x161: {  	[hbm4b:s24+s2] =	stream.linear.scatter [tilespmem:s25], [sflag:$0x1], $0x80, $0x38;
	[tilespmem:$0x4800] =	vst v63  }
0x162: {  	s30 =	sadd.s32 $0x100, s15;
	s31 =	simm.s32 $0x2A00  }
0x163: {  	[hbm4b:s30+s2] =	stream.linear.scatter [tilespmem:s31], [sflag:$0x1], $0x80, $0x38;
	[tilespmem:$0x4800] =	vst v63  }
0x164: {  	s20 =	sadd.s32 $0x180, s15;
	s21 =	simm.s32 $0x2E00  }
0x165: {  	[hbm4b:s20+s2] =	stream.linear.scatter [tilespmem:s21], [sflag:$0x1], $0x80, $0x38;
	[tilespmem:$0x4800] =	vst v63  }
0x166: {  	s22 =	sadd.s32 $0x200, s15;
	s23 =	simm.s32 $0x3200  }
0x167: {  	[hbm4b:s22+s2] =	stream.linear.scatter [tilespmem:s23], [sflag:$0x1], $0x80, $0x38;
	[tilespmem:$0x4800] =	vst v63  }
0x168: {  	s24 =	sadd.s32 $0x280, s15;
	s25 =	simm.s32 $0x3600  }
0x169: {  	[hbm4b:s24+s2] =	stream.linear.scatter [tilespmem:s25], [sflag:$0x1], $0x80, $0x38;
	[tilespmem:$0x4800] =	vst v63  }
0x16a: {  	s30 =	sadd.s32 $0x300, s15;
	s31 =	simm.s32 $0x3A00  }
0x16b: {  	[hbm4b:s30+s2] =	stream.linear.scatter [tilespmem:s31], [sflag:$0x1], $0x80, $0x38;
	[tilespmem:$0x4800] =	vst v63  }
0x16c: {  	s21 =	sadd.s32 $0x380, s15;
	s22 =	simm.s32 $0x3E00  }
0x16d: {  	[hbm4b:s21+s2] =	stream.linear.scatter [tilespmem:s22], [sflag:$0x1], $0x80, $0x38;
	[tilespmem:$0x4800] =	vst v63  }
0x16e: {  	_ =	swait.ge [sflag:s1], $0x400  }
0x16f: {  	[sflag:s1] =	ssyncset.done $0x0  }
0x170: {  	s23 =	simm.s32 $0x2280;
	[sflag:s1] =	ssyncadd.s32 $0xFFFFFC00  }
0x171: {  	[hbm4b:s16+s2] =	stream.linear.scatter [tilespmem:s23], [sflag:$0x1], $0x80, $0x38;
	[tilespmem:$0x4800] =	vst v63  }
0x172: {  	s24 =	sadd.s32 $0x80, s16;
	s25 =	simm.s32 $0x2680  }
0x173: {  	[hbm4b:s24+s2] =	stream.linear.scatter [tilespmem:s25], [sflag:$0x1], $0x80, $0x38;
	[tilespmem:$0x4800] =	vst v63  }
0x174: {  	s30 =	sadd.s32 $0x100, s16;
	s31 =	simm.s32 $0x2A80  }
0x175: {  	[hbm4b:s30+s2] =	stream.linear.scatter [tilespmem:s31], [sflag:$0x1], $0x80, $0x38;
	[tilespmem:$0x4800] =	vst v63  }
0x176: {  	s20 =	sadd.s32 $0x180, s16;
	s21 =	simm.s32 $0x2E80  }
0x177: {  	[hbm4b:s20+s2] =	stream.linear.scatter [tilespmem:s21], [sflag:$0x1], $0x80, $0x38;
	[tilespmem:$0x4800] =	vst v63  }
0x178: {  	s22 =	sadd.s32 $0x200, s16;
	s23 =	simm.s32 $0x3280  }
0x179: {  	[hbm4b:s22+s2] =	stream.linear.scatter [tilespmem:s23], [sflag:$0x1], $0x80, $0x38;
	[tilespmem:$0x4800] =	vst v63  }
0x17a: {  	s24 =	sadd.s32 $0x280, s16;
	s25 =	simm.s32 $0x3680  }
0x17b: {  	[hbm4b:s24+s2] =	stream.linear.scatter [tilespmem:s25], [sflag:$0x1], $0x80, $0x38;
	[tilespmem:$0x4800] =	vst v63  }
0x17c: {  	s30 =	sadd.s32 $0x300, s16;
	s31 =	simm.s32 $0x3A80  }
0x17d: {  	[hbm4b:s30+s2] =	stream.linear.scatter [tilespmem:s31], [sflag:$0x1], $0x80, $0x38;
	[tilespmem:$0x4800] =	vst v63  }
0x17e: {  	s21 =	sadd.s32 $0x380, s16;
	s22 =	simm.s32 $0x3E80  }
0x17f: {  	[hbm4b:s21+s2] =	stream.linear.scatter [tilespmem:s22], [sflag:$0x1], $0x80, $0x38;
	[tilespmem:$0x4800] =	vst v63  }
0x180: {  	_ =	swait.ge [sflag:s1], $0x400  }
0x181: {  	[sflag:s1] =	ssyncset.done $0x0  }
0x182: {  	s23 =	simm.s32 $0x2300;
	[sflag:s1] =	ssyncadd.s32 $0xFFFFFC00  }
0x183: {  	[hbm4b:s17+s2] =	stream.linear.scatter [tilespmem:s23], [sflag:$0x1], $0x80, $0x38;
	[tilespmem:$0x4800] =	vst v63  }
0x184: {  	s24 =	sadd.s32 $0x80, s17;
	s25 =	simm.s32 $0x2700  }
0x185: {  	[hbm4b:s24+s2] =	stream.linear.scatter [tilespmem:s25], [sflag:$0x1], $0x80, $0x38;
	[tilespmem:$0x4800] =	vst v63  }
0x186: {  	s30 =	sadd.s32 $0x100, s17;
	s31 =	simm.s32 $0x2B00  }
0x187: {  	[hbm4b:s30+s2] =	stream.linear.scatter [tilespmem:s31], [sflag:$0x1], $0x80, $0x38;
	[tilespmem:$0x4800] =	vst v63  }
0x188: {  	s20 =	sadd.s32 $0x180, s17;
	s21 =	simm.s32 $0x2F00  }
0x189: {  	[hbm4b:s20+s2] =	stream.linear.scatter [tilespmem:s21], [sflag:$0x1], $0x80, $0x38;
	[tilespmem:$0x4800] =	vst v63  }
0x18a: {  	s22 =	sadd.s32 $0x200, s17;
	s23 =	simm.s32 $0x3300  }
0x18b: {  	[hbm4b:s22+s2] =	stream.linear.scatter [tilespmem:s23], [sflag:$0x1], $0x80, $0x38;
	[tilespmem:$0x4800] =	vst v63  }
0x18c: {  	s24 =	sadd.s32 $0x280, s17;
	s25 =	simm.s32 $0x3700  }
0x18d: {  	[hbm4b:s24+s2] =	stream.linear.scatter [tilespmem:s25], [sflag:$0x1], $0x80, $0x38;
	[tilespmem:$0x4800] =	vst v63  }
0x18e: {  	s30 =	sadd.s32 $0x300, s17;
	s31 =	simm.s32 $0x3B00  }
0x18f: {  	[hbm4b:s30+s2] =	stream.linear.scatter [tilespmem:s31], [sflag:$0x1], $0x80, $0x38;
	[tilespmem:$0x4800] =	vst v63  }
0x190: {  	s21 =	sadd.s32 $0x380, s17;
	s22 =	simm.s32 $0x3F00  }
0x191: {  	[hbm4b:s21+s2] =	stream.linear.scatter [tilespmem:s22], [sflag:$0x1], $0x80, $0x38;
	[tilespmem:$0x4800] =	vst v63  }
0x192: {  	_ =	swait.ge [sflag:s1], $0x400  }
0x193: {  	[sflag:s1] =	ssyncset.done $0x0  }
0x194: {  	s23 =	simm.s32 $0x2380;
	[sflag:s1] =	ssyncadd.s32 $0xFFFFFC00  }
0x195: {  	[hbm4b:s18+s2] =	stream.linear.scatter [tilespmem:s23], [sflag:$0x1], $0x80, $0x38;
	[tilespmem:$0x4800] =	vst v63  }
0x196: {  	s24 =	sadd.s32 $0x80, s18;
	s25 =	simm.s32 $0x2780  }
0x197: {  	[hbm4b:s24+s2] =	stream.linear.scatter [tilespmem:s25], [sflag:$0x1], $0x80, $0x38;
	[tilespmem:$0x4800] =	vst v63  }
0x198: {  	s30 =	sadd.s32 $0x100, s18;
	s31 =	simm.s32 $0x2B80  }
0x199: {  	[hbm4b:s30+s2] =	stream.linear.scatter [tilespmem:s31], [sflag:$0x1], $0x80, $0x38;
	[tilespmem:$0x4800] =	vst v63  }
0x19a: {  	s20 =	sadd.s32 $0x180, s18;
	s21 =	simm.s32 $0x2F80  }
0x19b: {  	[hbm4b:s20+s2] =	stream.linear.scatter [tilespmem:s21], [sflag:$0x1], $0x80, $0x38;
	[tilespmem:$0x4800] =	vst v63  }
0x19c: {  	s22 =	sadd.s32 $0x200, s18;
	s23 =	simm.s32 $0x3380  }
0x19d: {  	[hbm4b:s22+s2] =	stream.linear.scatter [tilespmem:s23], [sflag:$0x1], $0x80, $0x38;
	[tilespmem:$0x4800] =	vst v63  }
0x19e: {  	s24 =	sadd.s32 $0x280, s18;
	s25 =	simm.s32 $0x3780  }
0x19f: {  	[hbm4b:s24+s2] =	stream.linear.scatter [tilespmem:s25], [sflag:$0x1], $0x80, $0x38;
	[tilespmem:$0x4800] =	vst v63  }
0x1a0: {  	s30 =	sadd.s32 $0x300, s18;
	s31 =	simm.s32 $0x3B80  }
0x1a1: {  	[hbm4b:s30+s2] =	stream.linear.scatter [tilespmem:s31], [sflag:$0x1], $0x80, $0x38;
	[tilespmem:$0x4800] =	vst v63  }
0x1a2: {  	s21 =	sadd.s32 $0x380, s18;
	s22 =	simm.s32 $0x3F80  }
0x1a3: {  	[hbm4b:s21+s2] =	stream.linear.scatter [tilespmem:s22], [sflag:$0x1], $0x80, $0x38;
	[tilespmem:$0x4800] =	vst v63  }
0x1a4: {  	_ =	swait.ge [sflag:s1], $0x400  }
0x1a5: {  	[sflag:s1] =	ssyncset.done $0x0  }
0x1a6: {  	s24 =	simm.s32 $0x4000;
	s23 =	rddreg [dreg:$0x2];
	[sflag:s1] =	ssyncadd.s32 $0xFFFFFC00  }
0x1a7: {  	[hbm4b:s23+s2] =	stream.linear.scatter [tilespmem:s24], [sflag:$0x1], $0x400, $0x38;
	[tilespmem:$0x4800] =	vst v63  }
0x1a8: {  	_ =	swait.ge [sflag:s1], $0x400  }
0x1a9: {  	[sflag:s1] =	ssyncset.done $0x0  }
0x1aa: {  	s30 =	simm.s32 $0x4400;
	s25 =	rddreg [dreg:$0x3];
	[sflag:s1] =	ssyncadd.s32 $0xFFFFFC00  }
0x1ab: {  	[hbm4b:s25+s2] =	stream.linear.scatter [tilespmem:s30], [sflag:$0x1], $0x400, $0x38;
	[tilespmem:$0x4800] =	vst v63  }
0x1ac: {  	_ =	swait.ge [sflag:s1], $0x400  }
0x1ad: {  	s0 =	sadd.s32 $0x1, s0;
	s31 =	rddreg [dreg:$0x4]  }
0x1ae: {  	p0 =	sne.s32 s0, s31  }
.Ltmp1:
0x1af: {  	_ = 	snop;
	(pc) =	sbr.rel @p0 .LBB2_1-.Ltmp1, $3  }
0x1b0: {  	_ =	sdelay $0x1  }
0x1b1: {  	[sflag:s1] =	ssyncset.done $0x0  }
0x1b2: {  	[sflag:s1] =	ssyncadd.s32 $0xFFFFFC00  }
0x1b3: {  	_ =	sfence.sel $0x180000  }
0x1b4: {  	[bflag:$0x0] =	sbarrier.arrive $0xFFFF  }
0x1b5: {  	_ =	strace $0x90000047  }
0x1b6: {  	s0 =	stileid.u32;
	[bflag:$0x2] =	sbarrier.arrive $0xFFFF  }
0x1b7: {  	p0 =	sne.s32 s0, $0x0;
	s0 =	rddreg [dreg:$0x1]  }
0x1b8: {  	s0 =	sadd.s32 @!p0 $0x100000, s0  }
0x1b9: {  	[sflag:s0] =	ssyncadd.tile.s32 @!p0 $0x1;
	_ =	shalt  }
.Lfunc_end2:
_tile_overlayer_lowered:
.L_overlay_start_2:
0x1ba: {  	(tag) =	ssettag $0x2  }
0x1bb: {  	s0 =	rddreg [dreg:$0x0];
	s2 =	stileid.u32  }
0x1bc: {  	s1 =	rddreg [dreg:$0x1];
	p0 =	sne.s32 s2, $0x0  }
0x1bd: {  	s3 =	rddreg [dreg:$0x2];
	[bflag:$0x3] =	sbarrier.arrive $0xFFFF;
	s2 =	simm.s32 @!p0 $0x1C01  }
0x1be: {  	[timem:s3], [sflag:s2] =	dma.local @!p0 [hbm:s0], s1  }
0x1bf: {  	s0 =	simm.s32 @!p0 $0x1  }
0x1c0: {  	_ =	swait.ge @!p0 [sflag:s0], s1  }
0x1c1: {  	s1 =	ssub.s32 @!p0 $0x0, s1;
	[sflag:s0] =	ssyncset.done @!p0 $0x0  }
0x1c2: {  	[sflag:s0] =	ssyncadd.s32 @!p0 s1  }
0x1c3: {  	[bflag:$0x3] =	sbarrier.arrive $0xFFFF  }
0x1c4: {  	_ =	shalt  }

</sc_bundles>
